<compile_context>
chip_gen: v7x
topology: tpu7x:2x2x1
jax: 0.10.2.dev20260603
libtpu: 0.0.44.dev20260713+nightly
codegen_flags: <defaults>
</compile_context>

<pallas_src>
import functools

import jax
import jax.numpy as jnp
from jax import lax
from jax.experimental import pallas as pl
from jax.experimental.pallas import tpu as pltpu
from jax.experimental.pallas import tpu_sc as plsc

NC = 2
NS = 16
LN = 16
CHUNK = 128
PIPE = 14
EBLK = 1024


def _zero_fill_f32(ref, nwords):
    def body(i, _):
        ref[pl.ds(i * LN, LN)] = jnp.zeros((LN,), jnp.float32)
        return _
    lax.fori_loop(0, nwords // LN, body, None)


def _deg_body(npad, rpt, rlast, nodes_pt, src_hbm, dst_hbm, deg_hbm,
              src_v, dst_v, ones_v, zb_v, dego_s, degi_s, sem):
    c = lax.axis_index("c")
    s = lax.axis_index("s")
    wid = s * NC + c
    last = NC * NS - 1
    nrows = jnp.where(wid == last, rlast, rpt)

    @pl.when(wid != last)
    def _cp_full():
        pltpu.sync_copy(src_hbm.at[pl.ds(wid * rpt, rpt), :], src_v)
        pltpu.sync_copy(dst_hbm.at[pl.ds(wid * rpt, rpt), :], dst_v)

    @pl.when(wid == last)
    def _cp_last():
        pltpu.sync_copy(src_hbm.at[pl.ds(last * rpt, rlast), :],
                        src_v.at[pl.ds(0, rlast), :])
        pltpu.sync_copy(dst_hbm.at[pl.ds(last * rpt, rlast), :],
                        dst_v.at[pl.ds(0, rlast), :])
    for i in range(CHUNK // LN):
        ones_v[pl.ds(i * LN, LN)] = jnp.ones((LN,), jnp.float32)
    _zero_fill_f32(zb_v, nodes_pt)
    sl = pl.ds(s * nodes_pt, nodes_pt)
    pltpu.sync_copy(zb_v, dego_s.at[sl])
    pltpu.sync_copy(zb_v, degi_s.at[sl])
    plsc.subcore_barrier()

    def fire(cc, _):
        pltpu.async_copy(ones_v, dego_s.at[src_v.at[cc]], sem, add=True)
        pltpu.async_copy(ones_v, degi_s.at[dst_v.at[cc]], sem, add=True)
        return _

    def drain(cc, _):
        pltpu.make_async_copy(ones_v, dego_s.at[src_v.at[cc]], sem).wait()
        pltpu.make_async_copy(ones_v, degi_s.at[dst_v.at[cc]], sem).wait()
        return _

    def steady(cc, _):
        fire(cc, None)
        drain(cc - PIPE, None)
        return _
    lax.fori_loop(0, jnp.minimum(PIPE, nrows), fire, None)
    lax.fori_loop(PIPE, nrows, steady, None)
    lax.fori_loop(jnp.maximum(nrows - PIPE, 0), nrows, drain, None)
    plsc.subcore_barrier()
    base = s * nodes_pt
    pltpu.sync_copy(dego_s.at[sl], deg_hbm.at[pl.ds(2 * c * npad + base, nodes_pt)])
    pltpu.sync_copy(degi_s.at[sl], deg_hbm.at[pl.ds((2 * c + 1) * npad + base, nodes_pt)])


def _agg_body(npad, rpt, rlast, nodes_pt, src_hbm, dst_hbm, p_hbm, part_hbm,
              src_v, dst_v, p0_v, p1_v, v0_v, v1_v, zb_v, agg0_s, agg1_s, sem):
    c = lax.axis_index("c")
    s = lax.axis_index("s")
    wid = s * NC + c
    last = NC * NS - 1
    nrows = jnp.where(wid == last, rlast, rpt)

    @pl.when(wid != last)
    def _cp_full():
        pltpu.sync_copy(src_hbm.at[pl.ds(wid * rpt, rpt), :], src_v)
        pltpu.sync_copy(dst_hbm.at[pl.ds(wid * rpt, rpt), :], dst_v)

    @pl.when(wid == last)
    def _cp_last():
        pltpu.sync_copy(src_hbm.at[pl.ds(last * rpt, rlast), :],
                        src_v.at[pl.ds(0, rlast), :])
        pltpu.sync_copy(dst_hbm.at[pl.ds(last * rpt, rlast), :],
                        dst_v.at[pl.ds(0, rlast), :])
    pltpu.sync_copy(p_hbm.at[pl.ds(0, npad)], p0_v)
    pltpu.sync_copy(p_hbm.at[pl.ds(npad, npad)], p1_v)
    _zero_fill_f32(zb_v, nodes_pt)
    sl = pl.ds(s * nodes_pt, nodes_pt)
    pltpu.sync_copy(zb_v, agg0_s.at[sl])
    pltpu.sync_copy(zb_v, agg1_s.at[sl])
    plsc.subcore_barrier()

    def fire(cc, _):
        for o in range(CHUNK // LN):
            osl = pl.ds(o * LN, LN)
            s16 = src_v[cc, osl]
            v0_v[cc, osl] = plsc.load_gather(p0_v, [s16])
            v1_v[cc, osl] = plsc.load_gather(p1_v, [s16])
        pltpu.async_copy(v0_v.at[cc], agg0_s.at[dst_v.at[cc]], sem, add=True)
        pltpu.async_copy(v1_v.at[cc], agg1_s.at[dst_v.at[cc]], sem, add=True)
        return _

    def drain(cc, _):
        pltpu.make_async_copy(v0_v.at[cc], agg0_s.at[dst_v.at[cc]], sem).wait()
        pltpu.make_async_copy(v1_v.at[cc], agg1_s.at[dst_v.at[cc]], sem).wait()
        return _

    def steady(cc, _):
        fire(cc, None)
        drain(cc - PIPE, None)
        return _
    lax.fori_loop(0, jnp.minimum(PIPE, nrows), fire, None)
    lax.fori_loop(PIPE, nrows, steady, None)
    lax.fori_loop(jnp.maximum(nrows - PIPE, 0), nrows, drain, None)
    plsc.subcore_barrier()
    base = s * nodes_pt
    pltpu.sync_copy(agg0_s.at[sl], part_hbm.at[pl.ds(2 * c * npad + base, nodes_pt)])
    pltpu.sync_copy(agg1_s.at[sl], part_hbm.at[pl.ds((2 * c + 1) * npad + base, nodes_pt)])


def _prep_body(wft_ref, x_ref, deg_ref, p_ref, nd_ref):
    u = lax.dot_general(wft_ref[...], x_ref[...],
                        (((1,), (1,)), ((), ())),
                        preferred_element_type=jnp.float32)
    d = deg_ref[...]
    dgo = d[0:1] + d[2:3]
    dgi = d[1:2] + d[3:4]
    ns = jnp.where(dgo > 0, lax.rsqrt(jnp.maximum(dgo, 1.0)), 0.0)
    nd = jnp.where(dgi > 0, lax.rsqrt(jnp.maximum(dgi, 1.0)), 0.0)
    p_ref[...] = u * ns
    nd_ref[...] = nd


def _fin_body(part_ref, nd_ref, c2_ref, out_ref):
    p = part_ref[...]
    srow = p[0:1] + p[2:3]
    yrow = p[1:2] + p[3:4]
    out_ref[...] = jnp.concatenate([srow, yrow], axis=0) * nd_ref[...] + c2_ref[...]


def kernel(x, edge_index, W_est, b_est, fc_w, fc_b, W_gnn, b_gnn, cls_w, cls_b):
    n, nfeat = x.shape
    e = edge_index.shape[1]
    npad = -(-n // (NS * LN)) * (NS * LN)
    assert e % CHUNK == 0
    erows = e // CHUNK
    nw = NC * NS
    rpt = -(-erows // nw)
    rpt = -(-rpt // 8) * 8
    rlast = erows - (nw - 1) * rpt
    assert 0 < rlast <= rpt
    nodes_pt = npad // NS

    wft = jnp.concatenate([(W_est @ fc_w).T, (W_gnn @ cls_w).T], axis=0)
    c2 = jnp.stack([(b_est @ fc_w + fc_b)[0], (b_gnn @ cls_w + cls_b)[0]]).reshape(2, 1)

    src2d = edge_index[0].reshape(erows, CHUNK)
    dst2d = edge_index[1].reshape(erows, CHUNK)

    mesh = plsc.VectorSubcoreMesh(core_axis_name="c", subcore_axis_name="s",
                                  num_cores=NC, num_subcores=NS)
    sc_params = pltpu.CompilerParams(use_tc_tiling_on_sc=False,
                                     needs_layout_passes=False)

    deg = pl.kernel(
        functools.partial(_deg_body, npad, rpt, rlast, nodes_pt),
        out_type=jax.ShapeDtypeStruct((4 * npad,), jnp.float32),
        mesh=mesh,
        scratch_types=[
            pltpu.VMEM((rpt, CHUNK), jnp.int32),
            pltpu.VMEM((rpt, CHUNK), jnp.int32),
            pltpu.VMEM((CHUNK,), jnp.float32),
            pltpu.VMEM((nodes_pt,), jnp.float32),
            pltpu.MemorySpace.VMEM_SHARED((npad,), jnp.float32),
            pltpu.MemorySpace.VMEM_SHARED((npad,), jnp.float32),
            pltpu.SemaphoreType.DMA,
        ],
        compiler_params=sc_params,
    )(src2d, dst2d)
    deg = deg.reshape(4, npad)

    p_t, nd = pl.pallas_call(
        _prep_body,
        grid=(npad // EBLK,),
        in_specs=[
            pl.BlockSpec((2, nfeat), lambda i: (0, 0)),
            pl.BlockSpec((EBLK, nfeat), lambda i: (i, 0)),
            pl.BlockSpec((4, EBLK), lambda i: (0, i)),
        ],
        out_specs=[
            pl.BlockSpec((2, EBLK), lambda i: (0, i)),
            pl.BlockSpec((1, EBLK), lambda i: (0, i)),
        ],
        out_shape=[
            jax.ShapeDtypeStruct((2, npad), jnp.float32),
            jax.ShapeDtypeStruct((1, npad), jnp.float32),
        ],
    )(wft, x, deg)

    part = pl.kernel(
        functools.partial(_agg_body, npad, rpt, rlast, nodes_pt),
        out_type=jax.ShapeDtypeStruct((4 * npad,), jnp.float32),
        mesh=mesh,
        scratch_types=[
            pltpu.VMEM((rpt, CHUNK), jnp.int32),
            pltpu.VMEM((rpt, CHUNK), jnp.int32),
            pltpu.VMEM((npad,), jnp.float32),
            pltpu.VMEM((npad,), jnp.float32),
            pltpu.VMEM((rpt, CHUNK), jnp.float32),
            pltpu.VMEM((rpt, CHUNK), jnp.float32),
            pltpu.VMEM((nodes_pt,), jnp.float32),
            pltpu.MemorySpace.VMEM_SHARED((npad,), jnp.float32),
            pltpu.MemorySpace.VMEM_SHARED((npad,), jnp.float32),
            pltpu.SemaphoreType.DMA,
        ],
        compiler_params=sc_params,
    )(src2d, dst2d, p_t.reshape(-1))
    part = part.reshape(4, npad)

    fin = pl.pallas_call(
        _fin_body,
        grid=(npad // EBLK,),
        in_specs=[
            pl.BlockSpec((4, EBLK), lambda i: (0, i)),
            pl.BlockSpec((1, EBLK), lambda i: (0, i)),
            pl.BlockSpec((2, 1), lambda i: (0, 0)),
        ],
        out_specs=pl.BlockSpec((2, EBLK), lambda i: (0, i)),
        out_shape=jax.ShapeDtypeStruct((2, npad), jnp.float32),
    )(part, nd, c2)

    y = fin[1, :n].reshape(n, 1)
    s = fin[0, :n].reshape(n, 1)
    return (y, s)

# --- scband reference (transcript-rebuilt; emitter-appended) ---
"""Pipeline reference for scband-fair-gnn-8375186227370 (READ-ONLY COPY).

The authoritative reference and input builder live on the scoring server;
editing this copy changes nothing except your own understanding.
"""

import jax, jax.numpy as jnp
import numpy as np

N = 10000
E = 320000
NFEAT = 128
NHID = 128


def _glorot(key, shape):
    lim = float(np.sqrt(6.0 / (shape[0] + shape[1])))
    return jax.random.uniform(key, shape, jnp.float32, -lim, lim)


def setup_inputs(seed: int = 0) -> dict:
    key = jax.random.key(seed)
    ks = jax.random.split(key, 10)
    x = jax.random.normal(ks[0], (N, NFEAT), dtype=jnp.float32)
    edge_index = jax.random.randint(ks[1], (2, E), 0, N, dtype=jnp.int32)
    # estimator = GCN(nfeat, nhid, nclass=1): GraphConv(nfeat,nhid) body + Linear(nhid,1) fc
    W_est = _glorot(ks[2], (NFEAT, NHID))
    b_est = jnp.zeros((NHID,), jnp.float32)
    lim = float(1.0 / np.sqrt(NHID))
    fc_w = jax.random.uniform(ks[3], (NHID, 1), jnp.float32, -lim, lim)
    fc_b = jnp.zeros((1,), jnp.float32)
    # GNN = GCN_Body(nfeat, nhid): single GraphConv(nfeat, nhid)
    W_gnn = _glorot(ks[4], (NFEAT, NHID))
    b_gnn = jnp.zeros((NHID,), jnp.float32)
    # classifier = Linear(nhid, 1)
    cls_w = jax.random.uniform(ks[5], (NHID, 1), jnp.float32, -lim, lim)
    cls_b = jnp.zeros((1,), jnp.float32)
    return {"x": x, "edge_index": edge_index, "W_est": W_est, "b_est": b_est,
            "fc_w": fc_w, "fc_b": fc_b, "W_gnn": W_gnn, "b_gnn": b_gnn,
            "cls_w": cls_w, "cls_b": cls_b}


def _graph_conv(x, src, dst, W, b, n):
    # DGL GraphConv with norm='both': out = D_in^{-1/2} A (D_out^{-1/2} X W) + b
    ones = jnp.ones((src.shape[0],), jnp.float32)
    deg_out = jnp.zeros((n,), jnp.float32).at[src].add(ones)
    deg_in = jnp.zeros((n,), jnp.float32).at[dst].add(ones)
    norm_src = jnp.where(deg_out > 0, jax.lax.rsqrt(jnp.maximum(deg_out, 1.0)), 0.0)
    norm_dst = jnp.where(deg_in > 0, jax.lax.rsqrt(jnp.maximum(deg_in, 1.0)), 0.0)
    xw = x @ W
    msg = jnp.take(xw, src, axis=0) * norm_src[src][:, None]
    agg = jnp.zeros((n, xw.shape[1]), xw.dtype).at[dst].add(msg)
    return agg * norm_dst[:, None] + b


def reference(x, edge_index, W_est, b_est, fc_w, fc_b, W_gnn, b_gnn, cls_w, cls_b):
    src = edge_index[0]
    dst = edge_index[1]
    n = x.shape[0]
    # s = estimator(g, x): GraphConv body (no nonlinearity in GCN_Body) then fc
    h_est = _graph_conv(x, src, dst, W_est, b_est, n)
    s = h_est @ fc_w + fc_b
    # z = GNN(g, x)
    z = _graph_conv(x, src, dst, W_gnn, b_gnn, n)
    # y = classifier(z)
    y = z @ cls_w + cls_b
    return (y, s)

if __name__ == "__main__":
    import jax
    _d = setup_inputs()
    print(jax.jit(kernel)(*tuple(_d.values())))

</pallas_src>

<mosaic_0001>
#map = affine_map<(d0, d1) -> (0, 0)>
#map1 = affine_map<(d0, d1) -> (0)>
module attributes {stable_mosaic.version = 14 : i64} {
  func.func @_agg_body(%arg0: i32, %arg1: i32, %arg2: memref<2500x128xi32, #tpu.memory_space<hbm>>, %arg3: memref<2500x128xi32, #tpu.memory_space<hbm>>, %arg4: memref<20480xf32, #tpu.memory_space<hbm>>, %arg5: memref<40960xf32, #tpu.memory_space<hbm>>, %arg6: memref<80x128xi32, #tpu.memory_space<vmem>>, %arg7: memref<80x128xi32, #tpu.memory_space<vmem>>, %arg8: memref<10240xf32, #tpu.memory_space<vmem>>, %arg9: memref<10240xf32, #tpu.memory_space<vmem>>, %arg10: memref<80x128xf32, #tpu.memory_space<vmem>>, %arg11: memref<80x128xf32, #tpu.memory_space<vmem>>, %arg12: memref<640xf32, #tpu.memory_space<vmem>>, %arg13: memref<10240xf32, #tpu.memory_space<vmem_shared>>, %arg14: memref<10240xf32, #tpu.memory_space<vmem_shared>>, %arg15: memref<!tpu.dma_semaphore, #tpu.memory_space<semaphore_mem>>) attributes {dimension_semantics = [#tpu.dimension_semantics<core_parallel>, #tpu.dimension_semantics<subcore_parallel>], iteration_bounds = array<i64: 2, 16>, scalar_prefetch = 0 : i64, scratch_operands = 10 : i64, tpu.core_type = #tpu.core_type<sc_vector_subcore>, window_params = [{transform_indices = #map}, {transform_indices = #map}, {transform_indices = #map1}, {transform_indices = #map1}]} {
    %mul3A = arith.constant 2 : i32
    %mul3A_0 = arith.muli %arg1, %mul3A : i32
    %add3A = arith.addi %mul3A_0, %arg0 : i32
    %eq3A = arith.constant 31 : i32
    %eq3A_1 = arith.cmpi eq, %add3A, %eq3A : i32
    %jit3A = arith.constant 20 : i32
    %jit3A_2 = arith.constant 80 : i32
    %select_n3A = arith.select %eq3A_1, %jit3A, %jit3A_2 : i32
    %ne3A = arith.constant 31 : i32
    %ne3A_3 = arith.cmpi ne, %add3A, %ne3A : i32
    %convert_element_type3A = arith.extui %ne3A_3 : i1 to i32
    %cond3A = arith.constant 0 : i32
    %cond3A_4 = arith.cmpi ne, %convert_element_type3A, %cond3A : i32
    scf.if %cond3A_4 {
      %mul3A_59 = arith.constant 80 : i32
      %mul3A_60 = arith.muli %add3A, %mul3A_59 : i32
      "tpu.region"() ({
        %run_scoped3A = tpu.sem_alloc : memref<!tpu.dma_semaphore, #tpu.memory_space<semaphore_mem>>
        %dma_start3A = arith.constant 0 : i32
        %dma_start3A_63 = tpu.memref_slice %arg2[%mul3A_60, %dma_start3A] : memref<2500x128xi32, #tpu.memory_space<hbm>> -> memref<80x128xi32, #tpu.memory_space<hbm>>
        %dma_start3A_64 = arith.constant 0 : i32
        %dma_start3A_65 = tpu.memref_slice %arg2[%mul3A_60, %dma_start3A_64] : memref<2500x128xi32, #tpu.memory_space<hbm>> -> memref<80x128xi32, #tpu.memory_space<hbm>>
        tpu.enqueue_dma source(%dma_start3A_65 : memref<80x128xi32, #tpu.memory_space<hbm>>) target(%arg6 : memref<80x128xi32, #tpu.memory_space<vmem>>) target_semaphore(%run_scoped3A : memref<!tpu.dma_semaphore, #tpu.memory_space<semaphore_mem>>)
        %dma_wait3A = arith.constant 0 : i32
        %dma_wait3A_66 = tpu.memref_slice %arg2[%mul3A_60, %dma_wait3A] : memref<2500x128xi32, #tpu.memory_space<hbm>> -> memref<80x128xi32, #tpu.memory_space<hbm>>
        %dma_wait3A_67 = arith.constant 0 : i32
        %dma_wait3A_68 = tpu.memref_slice %arg2[%mul3A_60, %dma_wait3A_67] : memref<2500x128xi32, #tpu.memory_space<hbm>> -> memref<80x128xi32, #tpu.memory_space<hbm>>
        tpu.wait_dma2 semaphore(%run_scoped3A : memref<!tpu.dma_semaphore, #tpu.memory_space<semaphore_mem>>) src(%dma_wait3A_68 : memref<80x128xi32, #tpu.memory_space<hbm>>) dst(%arg6 : memref<80x128xi32, #tpu.memory_space<vmem>>)
        tpu.yield
      }) : () -> ()
      %mul3A_61 = arith.constant 80 : i32
      %mul3A_62 = arith.muli %add3A, %mul3A_61 : i32
      "tpu.region"() ({
        %run_scoped3A = tpu.sem_alloc : memref<!tpu.dma_semaphore, #tpu.memory_space<semaphore_mem>>
        %dma_start3A = arith.constant 0 : i32
        %dma_start3A_63 = tpu.memref_slice %arg3[%mul3A_62, %dma_start3A] : memref<2500x128xi32, #tpu.memory_space<hbm>> -> memref<80x128xi32, #tpu.memory_space<hbm>>
        %dma_start3A_64 = arith.constant 0 : i32
        %dma_start3A_65 = tpu.memref_slice %arg3[%mul3A_62, %dma_start3A_64] : memref<2500x128xi32, #tpu.memory_space<hbm>> -> memref<80x128xi32, #tpu.memory_space<hbm>>
        tpu.enqueue_dma source(%dma_start3A_65 : memref<80x128xi32, #tpu.memory_space<hbm>>) target(%arg7 : memref<80x128xi32, #tpu.memory_space<vmem>>) target_semaphore(%run_scoped3A : memref<!tpu.dma_semaphore, #tpu.memory_space<semaphore_mem>>)
        %dma_wait3A = arith.constant 0 : i32
        %dma_wait3A_66 = tpu.memref_slice %arg3[%mul3A_62, %dma_wait3A] : memref<2500x128xi32, #tpu.memory_space<hbm>> -> memref<80x128xi32, #tpu.memory_space<hbm>>
        %dma_wait3A_67 = arith.constant 0 : i32
        %dma_wait3A_68 = tpu.memref_slice %arg3[%mul3A_62, %dma_wait3A_67] : memref<2500x128xi32, #tpu.memory_space<hbm>> -> memref<80x128xi32, #tpu.memory_space<hbm>>
        tpu.wait_dma2 semaphore(%run_scoped3A : memref<!tpu.dma_semaphore, #tpu.memory_space<semaphore_mem>>) src(%dma_wait3A_68 : memref<80x128xi32, #tpu.memory_space<hbm>>) dst(%arg7 : memref<80x128xi32, #tpu.memory_space<vmem>>)
        tpu.yield
      }) : () -> ()
    } else {
    }
    %eq3A_5 = arith.constant 31 : i32
    %eq3A_6 = arith.cmpi eq, %add3A, %eq3A_5 : i32
    %convert_element_type3A_7 = arith.extui %eq3A_6 : i1 to i32
    %cond3A_8 = arith.constant 0 : i32
    %cond3A_9 = arith.cmpi ne, %convert_element_type3A_7, %cond3A_8 : i32
    scf.if %cond3A_9 {
      "tpu.region"() ({
        %run_scoped3A = tpu.sem_alloc : memref<!tpu.dma_semaphore, #tpu.memory_space<semaphore_mem>>
        %dma_start3A = arith.constant 0 : i32
        %dma_start3A_59 = arith.constant 0 : i32
        %dma_start3A_60 = tpu.memref_slice %arg6[%dma_start3A, %dma_start3A_59] : memref<80x128xi32, #tpu.memory_space<vmem>> -> memref<20x128xi32, #tpu.memory_space<vmem>>
        %dma_start3A_61 = arith.constant 2480 : i32
        %dma_start3A_62 = arith.constant 0 : i32
        %dma_start3A_63 = tpu.memref_slice %arg2[%dma_start3A_61, %dma_start3A_62] : memref<2500x128xi32, #tpu.memory_space<hbm>> -> memref<20x128xi32, #tpu.memory_space<hbm>>
        %dma_start3A_64 = arith.constant 0 : i32
        %dma_start3A_65 = arith.constant 0 : i32
        %dma_start3A_66 = tpu.memref_slice %arg6[%dma_start3A_64, %dma_start3A_65] : memref<80x128xi32, #tpu.memory_space<vmem>> -> memref<20x128xi32, #tpu.memory_space<vmem>>
        %dma_start3A_67 = arith.constant 2480 : i32
        %dma_start3A_68 = arith.constant 0 : i32
        %dma_start3A_69 = tpu.memref_slice %arg2[%dma_start3A_67, %dma_start3A_68] : memref<2500x128xi32, #tpu.memory_space<hbm>> -> memref<20x128xi32, #tpu.memory_space<hbm>>
        tpu.enqueue_dma source(%dma_start3A_69 : memref<20x128xi32, #tpu.memory_space<hbm>>) target(%dma_start3A_66 : memref<20x128xi32, #tpu.memory_space<vmem>>) target_semaphore(%run_scoped3A : memref<!tpu.dma_semaphore, #tpu.memory_space<semaphore_mem>>)
        %dma_wait3A = arith.constant 0 : i32
        %dma_wait3A_70 = arith.constant 0 : i32
        %dma_wait3A_71 = tpu.memref_slice %arg6[%dma_wait3A, %dma_wait3A_70] : memref<80x128xi32, #tpu.memory_space<vmem>> -> memref<20x128xi32, #tpu.memory_space<vmem>>
        %dma_wait3A_72 = arith.constant 2480 : i32
        %dma_wait3A_73 = arith.constant 0 : i32
        %dma_wait3A_74 = tpu.memref_slice %arg2[%dma_wait3A_72, %dma_wait3A_73] : memref<2500x128xi32, #tpu.memory_space<hbm>> -> memref<20x128xi32, #tpu.memory_space<hbm>>
        %dma_wait3A_75 = arith.constant 0 : i32
        %dma_wait3A_76 = arith.constant 0 : i32
        %dma_wait3A_77 = tpu.memref_slice %arg6[%dma_wait3A_75, %dma_wait3A_76] : memref<80x128xi32, #tpu.memory_space<vmem>> -> memref<20x128xi32, #tpu.memory_space<vmem>>
        %dma_wait3A_78 = arith.constant 2480 : i32
        %dma_wait3A_79 = arith.constant 0 : i32
        %dma_wait3A_80 = tpu.memref_slice %arg2[%dma_wait3A_78, %dma_wait3A_79] : memref<2500x128xi32, #tpu.memory_space<hbm>> -> memref<20x128xi32, #tpu.memory_space<hbm>>
        tpu.wait_dma2 semaphore(%run_scoped3A : memref<!tpu.dma_semaphore, #tpu.memory_space<semaphore_mem>>) src(%dma_wait3A_80 : memref<20x128xi32, #tpu.memory_space<hbm>>) dst(%dma_wait3A_77 : memref<20x128xi32, #tpu.memory_space<vmem>>)
        tpu.yield
      }) : () -> ()
      "tpu.region"() ({
        %run_scoped3A = tpu.sem_alloc : memref<!tpu.dma_semaphore, #tpu.memory_space<semaphore_mem>>
        %dma_start3A = arith.constant 0 : i32
        %dma_start3A_59 = arith.constant 0 : i32
        %dma_start3A_60 = tpu.memref_slice %arg7[%dma_start3A, %dma_start3A_59] : memref<80x128xi32, #tpu.memory_space<vmem>> -> memref<20x128xi32, #tpu.memory_space<vmem>>
        %dma_start3A_61 = arith.constant 2480 : i32
        %dma_start3A_62 = arith.constant 0 : i32
        %dma_start3A_63 = tpu.memref_slice %arg3[%dma_start3A_61, %dma_start3A_62] : memref<2500x128xi32, #tpu.memory_space<hbm>> -> memref<20x128xi32, #tpu.memory_space<hbm>>
        %dma_start3A_64 = arith.constant 0 : i32
        %dma_start3A_65 = arith.constant 0 : i32
        %dma_start3A_66 = tpu.memref_slice %arg7[%dma_start3A_64, %dma_start3A_65] : memref<80x128xi32, #tpu.memory_space<vmem>> -> memref<20x128xi32, #tpu.memory_space<vmem>>
        %dma_start3A_67 = arith.constant 2480 : i32
        %dma_start3A_68 = arith.constant 0 : i32
        %dma_start3A_69 = tpu.memref_slice %arg3[%dma_start3A_67, %dma_start3A_68] : memref<2500x128xi32, #tpu.memory_space<hbm>> -> memref<20x128xi32, #tpu.memory_space<hbm>>
        tpu.enqueue_dma source(%dma_start3A_69 : memref<20x128xi32, #tpu.memory_space<hbm>>) target(%dma_start3A_66 : memref<20x128xi32, #tpu.memory_space<vmem>>) target_semaphore(%run_scoped3A : memref<!tpu.dma_semaphore, #tpu.memory_space<semaphore_mem>>)
        %dma_wait3A = arith.constant 0 : i32
        %dma_wait3A_70 = arith.constant 0 : i32
        %dma_wait3A_71 = tpu.memref_slice %arg7[%dma_wait3A, %dma_wait3A_70] : memref<80x128xi32, #tpu.memory_space<vmem>> -> memref<20x128xi32, #tpu.memory_space<vmem>>
        %dma_wait3A_72 = arith.constant 2480 : i32
        %dma_wait3A_73 = arith.constant 0 : i32
        %dma_wait3A_74 = tpu.memref_slice %arg3[%dma_wait3A_72, %dma_wait3A_73] : memref<2500x128xi32, #tpu.memory_space<hbm>> -> memref<20x128xi32, #tpu.memory_space<hbm>>
        %dma_wait3A_75 = arith.constant 0 : i32
        %dma_wait3A_76 = arith.constant 0 : i32
        %dma_wait3A_77 = tpu.memref_slice %arg7[%dma_wait3A_75, %dma_wait3A_76] : memref<80x128xi32, #tpu.memory_space<vmem>> -> memref<20x128xi32, #tpu.memory_space<vmem>>
        %dma_wait3A_78 = arith.constant 2480 : i32
        %dma_wait3A_79 = arith.constant 0 : i32
        %dma_wait3A_80 = tpu.memref_slice %arg3[%dma_wait3A_78, %dma_wait3A_79] : memref<2500x128xi32, #tpu.memory_space<hbm>> -> memref<20x128xi32, #tpu.memory_space<hbm>>
        tpu.wait_dma2 semaphore(%run_scoped3A : memref<!tpu.dma_semaphore, #tpu.memory_space<semaphore_mem>>) src(%dma_wait3A_80 : memref<20x128xi32, #tpu.memory_space<hbm>>) dst(%dma_wait3A_77 : memref<20x128xi32, #tpu.memory_space<vmem>>)
        tpu.yield
      }) : () -> ()
    } else {
    }
    "tpu.region"() ({
      %run_scoped3A = tpu.sem_alloc : memref<!tpu.dma_semaphore, #tpu.memory_space<semaphore_mem>>
      %dma_start3A = arith.constant 0 : i32
      %dma_start3A_59 = tpu.memref_slice %arg4[%dma_start3A] : memref<20480xf32, #tpu.memory_space<hbm>> -> memref<10240xf32, #tpu.memory_space<hbm>>
      %dma_start3A_60 = arith.constant 0 : i32
      %dma_start3A_61 = tpu.memref_slice %arg4[%dma_start3A_60] : memref<20480xf32, #tpu.memory_space<hbm>> -> memref<10240xf32, #tpu.memory_space<hbm>>
      tpu.enqueue_dma source(%dma_start3A_61 : memref<10240xf32, #tpu.memory_space<hbm>>) target(%arg8 : memref<10240xf32, #tpu.memory_space<vmem>>) target_semaphore(%run_scoped3A : memref<!tpu.dma_semaphore, #tpu.memory_space<semaphore_mem>>)
      %dma_wait3A = arith.constant 0 : i32
      %dma_wait3A_62 = tpu.memref_slice %arg4[%dma_wait3A] : memref<20480xf32, #tpu.memory_space<hbm>> -> memref<10240xf32, #tpu.memory_space<hbm>>
      %dma_wait3A_63 = arith.constant 0 : i32
      %dma_wait3A_64 = tpu.memref_slice %arg4[%dma_wait3A_63] : memref<20480xf32, #tpu.memory_space<hbm>> -> memref<10240xf32, #tpu.memory_space<hbm>>
      tpu.wait_dma2 semaphore(%run_scoped3A : memref<!tpu.dma_semaphore, #tpu.memory_space<semaphore_mem>>) src(%dma_wait3A_64 : memref<10240xf32, #tpu.memory_space<hbm>>) dst(%arg8 : memref<10240xf32, #tpu.memory_space<vmem>>)
      tpu.yield
    }) : () -> ()
    "tpu.region"() ({
      %run_scoped3A = tpu.sem_alloc : memref<!tpu.dma_semaphore, #tpu.memory_space<semaphore_mem>>
      %dma_start3A = arith.constant 10240 : i32
      %dma_start3A_59 = tpu.memref_slice %arg4[%dma_start3A] : memref<20480xf32, #tpu.memory_space<hbm>> -> memref<10240xf32, #tpu.memory_space<hbm>>
      %dma_start3A_60 = arith.constant 10240 : i32
      %dma_start3A_61 = tpu.memref_slice %arg4[%dma_start3A_60] : memref<20480xf32, #tpu.memory_space<hbm>> -> memref<10240xf32, #tpu.memory_space<hbm>>
      tpu.enqueue_dma source(%dma_start3A_61 : memref<10240xf32, #tpu.memory_space<hbm>>) target(%arg9 : memref<10240xf32, #tpu.memory_space<vmem>>) target_semaphore(%run_scoped3A : memref<!tpu.dma_semaphore, #tpu.memory_space<semaphore_mem>>)
      %dma_wait3A = arith.constant 10240 : i32
      %dma_wait3A_62 = tpu.memref_slice %arg4[%dma_wait3A] : memref<20480xf32, #tpu.memory_space<hbm>> -> memref<10240xf32, #tpu.memory_space<hbm>>
      %dma_wait3A_63 = arith.constant 10240 : i32
      %dma_wait3A_64 = tpu.memref_slice %arg4[%dma_wait3A_63] : memref<20480xf32, #tpu.memory_space<hbm>> -> memref<10240xf32, #tpu.memory_space<hbm>>
      tpu.wait_dma2 semaphore(%run_scoped3A : memref<!tpu.dma_semaphore, #tpu.memory_space<semaphore_mem>>) src(%dma_wait3A_64 : memref<10240xf32, #tpu.memory_space<hbm>>) dst(%arg9 : memref<10240xf32, #tpu.memory_space<vmem>>)
      tpu.yield
    }) : () -> ()
    %scan3A = arith.constant 0 : i32
    %scan3A_10 = arith.constant 40 : i32
    %scan3A_11 = arith.addi %scan3A, %scan3A_10 : i32
    %scan3A_12 = arith.constant 1 : i32
    scf.for %scan3A_59 = %scan3A to %scan3A_11 step %scan3A_12  : i32 {
      %broadcast_in_dim3A = arith.constant 0.000000e+00 : f32
      %broadcast_in_dim3A_60 = vector.broadcast %broadcast_in_dim3A : f32 to vector<16xf32>
      %mul3A_61 = arith.constant 16 : i32
      %mul3A_62 = arith.muli %scan3A_59, %mul3A_61 : i32
      %swap3A = arith.index_cast %mul3A_62 : i32 to index
      %swap3A_63 = tpu.vector_load %arg12[%swap3A] {strides = array<i32>} : memref<640xf32, #tpu.memory_space<vmem>>, vector<16xf32>,
      tpu.vector_store %arg12[%swap3A], %broadcast_in_dim3A_60 {strides = array<i32>} : memref<640xf32, #tpu.memory_space<vmem>>, vector<16xf32>,
    }
    %scan3A_13 = arith.constant 40 : i32
    %mul3A_14 = arith.constant 640 : i32
    %mul3A_15 = arith.muli %arg1, %mul3A_14 : i32
    "tpu.region"() ({
      %run_scoped3A = tpu.sem_alloc : memref<!tpu.dma_semaphore, #tpu.memory_space<semaphore_mem>>
      %dma_start3A = tpu.memref_slice %arg13[%mul3A_15] : memref<10240xf32, #tpu.memory_space<vmem_shared>> -> memref<640xf32, #tpu.memory_space<vmem_shared>>
      %dma_start3A_59 = tpu.memref_slice %arg13[%mul3A_15] : memref<10240xf32, #tpu.memory_space<vmem_shared>> -> memref<640xf32, #tpu.memory_space<vmem_shared>>
      tpu.enqueue_dma source(%arg12 : memref<640xf32, #tpu.memory_space<vmem>>) target(%dma_start3A_59 : memref<640xf32, #tpu.memory_space<vmem_shared>>) target_semaphore(%run_scoped3A : memref<!tpu.dma_semaphore, #tpu.memory_space<semaphore_mem>>)
      %dma_wait3A = tpu.memref_slice %arg13[%mul3A_15] : memref<10240xf32, #tpu.memory_space<vmem_shared>> -> memref<640xf32, #tpu.memory_space<vmem_shared>>
      %dma_wait3A_60 = tpu.memref_slice %arg13[%mul3A_15] : memref<10240xf32, #tpu.memory_space<vmem_shared>> -> memref<640xf32, #tpu.memory_space<vmem_shared>>
      tpu.wait_dma2 semaphore(%run_scoped3A : memref<!tpu.dma_semaphore, #tpu.memory_space<semaphore_mem>>) src(%arg12 : memref<640xf32, #tpu.memory_space<vmem>>) dst(%dma_wait3A_60 : memref<640xf32, #tpu.memory_space<vmem_shared>>)
      tpu.yield
    }) : () -> ()
    "tpu.region"() ({
      %run_scoped3A = tpu.sem_alloc : memref<!tpu.dma_semaphore, #tpu.memory_space<semaphore_mem>>
      %dma_start3A = tpu.memref_slice %arg14[%mul3A_15] : memref<10240xf32, #tpu.memory_space<vmem_shared>> -> memref<640xf32, #tpu.memory_space<vmem_shared>>
      %dma_start3A_59 = tpu.memref_slice %arg14[%mul3A_15] : memref<10240xf32, #tpu.memory_space<vmem_shared>> -> memref<640xf32, #tpu.memory_space<vmem_shared>>
      tpu.enqueue_dma source(%arg12 : memref<640xf32, #tpu.memory_space<vmem>>) target(%dma_start3A_59 : memref<640xf32, #tpu.memory_space<vmem_shared>>) target_semaphore(%run_scoped3A : memref<!tpu.dma_semaphore, #tpu.memory_space<semaphore_mem>>)
      %dma_wait3A = tpu.memref_slice %arg14[%mul3A_15] : memref<10240xf32, #tpu.memory_space<vmem_shared>> -> memref<640xf32, #tpu.memory_space<vmem_shared>>
      %dma_wait3A_60 = tpu.memref_slice %arg14[%mul3A_15] : memref<10240xf32, #tpu.memory_space<vmem_shared>> -> memref<640xf32, #tpu.memory_space<vmem_shared>>
      tpu.wait_dma2 semaphore(%run_scoped3A : memref<!tpu.dma_semaphore, #tpu.memory_space<semaphore_mem>>) src(%arg12 : memref<640xf32, #tpu.memory_space<vmem>>) dst(%dma_wait3A_60 : memref<640xf32, #tpu.memory_space<vmem_shared>>)
      tpu.yield
    }) : () -> ()
    %barrier3A = arith.constant 0 : index
    tpu.barrier barrier_id(%barrier3A)
    %min3A = arith.constant 14 : i32
    %min3A_16 = arith.minsi %min3A, %select_n3A : i32
    %while3A = arith.constant 0 : i32
    %while3A_17 = arith.subi %min3A_16, %while3A : i32
    %while3A_18 = arith.addi %while3A, %while3A_17 : i32
    %while3A_19 = arith.constant 1 : i32
    %while3A_20 = arith.divsi %while3A_17, %while3A_19 : i32
    %while3A_21 = arith.muli %while3A_20, %while3A_19 : i32
    %while3A_22 = arith.addi %while3A, %while3A_21 : i32
    %while3A_23 = arith.constant 1 : i32
    scf.for %while3A_59 = %while3A to %while3A_22 step %while3A_23  : i32 {
      %get3A = arith.index_cast %while3A_59 : i32 to index
      %get3A_60 = arith.constant 0 : index
      %get3A_61 = tpu.vector_load %arg6[%get3A, %get3A_60] {strides = array<i32>} : memref<80x128xi32, #tpu.memory_space<vmem>>, vector<16xi32>,
      %gather3A = tpu.vector_load_idx %arg8[%get3A_61] : memref<10240xf32, #tpu.memory_space<vmem>>[vector<16xi32>], vector<16xf32>,
      %swap3A = arith.index_cast %while3A_59 : i32 to index
      %swap3A_62 = arith.constant 0 : index
      %swap3A_63 = tpu.vector_load %arg10[%swap3A, %swap3A_62] {strides = array<i32>} : memref<80x128xf32, #tpu.memory_space<vmem>>, vector<16xf32>,
      tpu.vector_store %arg10[%swap3A, %swap3A_62], %gather3A {strides = array<i32>} : memref<80x128xf32, #tpu.memory_space<vmem>>, vector<16xf32>,
      %gather3A_64 = tpu.vector_load_idx %arg9[%get3A_61] : memref<10240xf32, #tpu.memory_space<vmem>>[vector<16xi32>], vector<16xf32>,
      %swap3A_65 = arith.index_cast %while3A_59 : i32 to index
      %swap3A_66 = arith.constant 0 : index
      %swap3A_67 = tpu.vector_load %arg11[%swap3A_65, %swap3A_66] {strides = array<i32>} : memref<80x128xf32, #tpu.memory_space<vmem>>, vector<16xf32>,
      tpu.vector_store %arg11[%swap3A_65, %swap3A_66], %gather3A_64 {strides = array<i32>} : memref<80x128xf32, #tpu.memory_space<vmem>>, vector<16xf32>,
      %get3A_68 = arith.index_cast %while3A_59 : i32 to index
      %get3A_69 = arith.constant 16 : index
      %get3A_70 = tpu.vector_load %arg6[%get3A_68, %get3A_69] {strides = array<i32>} : memref<80x128xi32, #tpu.memory_space<vmem>>, vector<16xi32>,
      %gather3A_71 = tpu.vector_load_idx %arg8[%get3A_70] : memref<10240xf32, #tpu.memory_space<vmem>>[vector<16xi32>], vector<16xf32>,
      %swap3A_72 = arith.index_cast %while3A_59 : i32 to index
      %swap3A_73 = arith.constant 16 : index
      %swap3A_74 = tpu.vector_load %arg10[%swap3A_72, %swap3A_73] {strides = array<i32>} : memref<80x128xf32, #tpu.memory_space<vmem>>, vector<16xf32>,
      tpu.vector_store %arg10[%swap3A_72, %swap3A_73], %gather3A_71 {strides = array<i32>} : memref<80x128xf32, #tpu.memory_space<vmem>>, vector<16xf32>,
      %gather3A_75 = tpu.vector_load_idx %arg9[%get3A_70] : memref<10240xf32, #tpu.memory_space<vmem>>[vector<16xi32>], vector<16xf32>,
      %swap3A_76 = arith.index_cast %while3A_59 : i32 to index
      %swap3A_77 = arith.constant 16 : index
      %swap3A_78 = tpu.vector_load %arg11[%swap3A_76, %swap3A_77] {strides = array<i32>} : memref<80x128xf32, #tpu.memory_space<vmem>>, vector<16xf32>,
      tpu.vector_store %arg11[%swap3A_76, %swap3A_77], %gather3A_75 {strides = array<i32>} : memref<80x128xf32, #tpu.memory_space<vmem>>, vector<16xf32>,
      %get3A_79 = arith.index_cast %while3A_59 : i32 to index
      %get3A_80 = arith.constant 32 : index
      %get3A_81 = tpu.vector_load %arg6[%get3A_79, %get3A_80] {strides = array<i32>} : memref<80x128xi32, #tpu.memory_space<vmem>>, vector<16xi32>,
      %gather3A_82 = tpu.vector_load_idx %arg8[%get3A_81] : memref<10240xf32, #tpu.memory_space<vmem>>[vector<16xi32>], vector<16xf32>,
      %swap3A_83 = arith.index_cast %while3A_59 : i32 to index
      %swap3A_84 = arith.constant 32 : index
      %swap3A_85 = tpu.vector_load %arg10[%swap3A_83, %swap3A_84] {strides = array<i32>} : memref<80x128xf32, #tpu.memory_space<vmem>>, vector<16xf32>,
      tpu.vector_store %arg10[%swap3A_83, %swap3A_84], %gather3A_82 {strides = array<i32>} : memref<80x128xf32, #tpu.memory_space<vmem>>, vector<16xf32>,
      %gather3A_86 = tpu.vector_load_idx %arg9[%get3A_81] : memref<10240xf32, #tpu.memory_space<vmem>>[vector<16xi32>], vector<16xf32>,
      %swap3A_87 = arith.index_cast %while3A_59 : i32 to index
      %swap3A_88 = arith.constant 32 : index
      %swap3A_89 = tpu.vector_load %arg11[%swap3A_87, %swap3A_88] {strides = array<i32>} : memref<80x128xf32, #tpu.memory_space<vmem>>, vector<16xf32>,
      tpu.vector_store %arg11[%swap3A_87, %swap3A_88], %gather3A_86 {strides = array<i32>} : memref<80x128xf32, #tpu.memory_space<vmem>>, vector<16xf32>,
      %get3A_90 = arith.index_cast %while3A_59 : i32 to index
      %get3A_91 = arith.constant 48 : index
      %get3A_92 = tpu.vector_load %arg6[%get3A_90, %get3A_91] {strides = array<i32>} : memref<80x128xi32, #tpu.memory_space<vmem>>, vector<16xi32>,
      %gather3A_93 = tpu.vector_load_idx %arg8[%get3A_92] : memref<10240xf32, #tpu.memory_space<vmem>>[vector<16xi32>], vector<16xf32>,
      %swap3A_94 = arith.index_cast %while3A_59 : i32 to index
      %swap3A_95 = arith.constant 48 : index
      %swap3A_96 = tpu.vector_load %arg10[%swap3A_94, %swap3A_95] {strides = array<i32>} : memref<80x128xf32, #tpu.memory_space<vmem>>, vector<16xf32>,
      tpu.vector_store %arg10[%swap3A_94, %swap3A_95], %gather3A_93 {strides = array<i32>} : memref<80x128xf32, #tpu.memory_space<vmem>>, vector<16xf32>,
      %gather3A_97 = tpu.vector_load_idx %arg9[%get3A_92] : memref<10240xf32, #tpu.memory_space<vmem>>[vector<16xi32>], vector<16xf32>,
      %swap3A_98 = arith.index_cast %while3A_59 : i32 to index
      %swap3A_99 = arith.constant 48 : index
      %swap3A_100 = tpu.vector_load %arg11[%swap3A_98, %swap3A_99] {strides = array<i32>} : memref<80x128xf32, #tpu.memory_space<vmem>>, vector<16xf32>,
      tpu.vector_store %arg11[%swap3A_98, %swap3A_99], %gather3A_97 {strides = array<i32>} : memref<80x128xf32, #tpu.memory_space<vmem>>, vector<16xf32>,
      %get3A_101 = arith.index_cast %while3A_59 : i32 to index
      %get3A_102 = arith.constant 64 : index
      %get3A_103 = tpu.vector_load %arg6[%get3A_101, %get3A_102] {strides = array<i32>} : memref<80x128xi32, #tpu.memory_space<vmem>>, vector<16xi32>,
      %gather3A_104 = tpu.vector_load_idx %arg8[%get3A_103] : memref<10240xf32, #tpu.memory_space<vmem>>[vector<16xi32>], vector<16xf32>,
      %swap3A_105 = arith.index_cast %while3A_59 : i32 to index
      %swap3A_106 = arith.constant 64 : index
      %swap3A_107 = tpu.vector_load %arg10[%swap3A_105, %swap3A_106] {strides = array<i32>} : memref<80x128xf32, #tpu.memory_space<vmem>>, vector<16xf32>,
      tpu.vector_store %arg10[%swap3A_105, %swap3A_106], %gather3A_104 {strides = array<i32>} : memref<80x128xf32, #tpu.memory_space<vmem>>, vector<16xf32>,
      %gather3A_108 = tpu.vector_load_idx %arg9[%get3A_103] : memref<10240xf32, #tpu.memory_space<vmem>>[vector<16xi32>], vector<16xf32>,
      %swap3A_109 = arith.index_cast %while3A_59 : i32 to index
      %swap3A_110 = arith.constant 64 : index
      %swap3A_111 = tpu.vector_load %arg11[%swap3A_109, %swap3A_110] {strides = array<i32>} : memref<80x128xf32, #tpu.memory_space<vmem>>, vector<16xf32>,
      tpu.vector_store %arg11[%swap3A_109, %swap3A_110], %gather3A_108 {strides = array<i32>} : memref<80x128xf32, #tpu.memory_space<vmem>>, vector<16xf32>,
      %get3A_112 = arith.index_cast %while3A_59 : i32 to index
      %get3A_113 = arith.constant 80 : index
      %get3A_114 = tpu.vector_load %arg6[%get3A_112, %get3A_113] {strides = array<i32>} : memref<80x128xi32, #tpu.memory_space<vmem>>, vector<16xi32>,
      %gather3A_115 = tpu.vector_load_idx %arg8[%get3A_114] : memref<10240xf32, #tpu.memory_space<vmem>>[vector<16xi32>], vector<16xf32>,
      %swap3A_116 = arith.index_cast %while3A_59 : i32 to index
      %swap3A_117 = arith.constant 80 : index
      %swap3A_118 = tpu.vector_load %arg10[%swap3A_116, %swap3A_117] {strides = array<i32>} : memref<80x128xf32, #tpu.memory_space<vmem>>, vector<16xf32>,
      tpu.vector_store %arg10[%swap3A_116, %swap3A_117], %gather3A_115 {strides = array<i32>} : memref<80x128xf32, #tpu.memory_space<vmem>>, vector<16xf32>,
      %gather3A_119 = tpu.vector_load_idx %arg9[%get3A_114] : memref<10240xf32, #tpu.memory_space<vmem>>[vector<16xi32>], vector<16xf32>,
      %swap3A_120 = arith.index_cast %while3A_59 : i32 to index
      %swap3A_121 = arith.constant 80 : index
      %swap3A_122 = tpu.vector_load %arg11[%swap3A_120, %swap3A_121] {strides = array<i32>} : memref<80x128xf32, #tpu.memory_space<vmem>>, vector<16xf32>,
      tpu.vector_store %arg11[%swap3A_120, %swap3A_121], %gather3A_119 {strides = array<i32>} : memref<80x128xf32, #tpu.memory_space<vmem>>, vector<16xf32>,
      %get3A_123 = arith.index_cast %while3A_59 : i32 to index
      %get3A_124 = arith.constant 96 : index
      %get3A_125 = tpu.vector_load %arg6[%get3A_123, %get3A_124] {strides = array<i32>} : memref<80x128xi32, #tpu.memory_space<vmem>>, vector<16xi32>,
      %gather3A_126 = tpu.vector_load_idx %arg8[%get3A_125] : memref<10240xf32, #tpu.memory_space<vmem>>[vector<16xi32>], vector<16xf32>,
      %swap3A_127 = arith.index_cast %while3A_59 : i32 to index
      %swap3A_128 = arith.constant 96 : index
      %swap3A_129 = tpu.vector_load %arg10[%swap3A_127, %swap3A_128] {strides = array<i32>} : memref<80x128xf32, #tpu.memory_space<vmem>>, vector<16xf32>,
      tpu.vector_store %arg10[%swap3A_127, %swap3A_128], %gather3A_126 {strides = array<i32>} : memref<80x128xf32, #tpu.memory_space<vmem>>, vector<16xf32>,
      %gather3A_130 = tpu.vector_load_idx %arg9[%get3A_125] : memref<10240xf32, #tpu.memory_space<vmem>>[vector<16xi32>], vector<16xf32>,
      %swap3A_131 = arith.index_cast %while3A_59 : i32 to index
      %swap3A_132 = arith.constant 96 : index
      %swap3A_133 = tpu.vector_load %arg11[%swap3A_131, %swap3A_132] {strides = array<i32>} : memref<80x128xf32, #tpu.memory_space<vmem>>, vector<16xf32>,
      tpu.vector_store %arg11[%swap3A_131, %swap3A_132], %gather3A_130 {strides = array<i32>} : memref<80x128xf32, #tpu.memory_space<vmem>>, vector<16xf32>,
      %get3A_134 = arith.index_cast %while3A_59 : i32 to index
      %get3A_135 = arith.constant 112 : index
      %get3A_136 = tpu.vector_load %arg6[%get3A_134, %get3A_135] {strides = array<i32>} : memref<80x128xi32, #tpu.memory_space<vmem>>, vector<16xi32>,
      %gather3A_137 = tpu.vector_load_idx %arg8[%get3A_136] : memref<10240xf32, #tpu.memory_space<vmem>>[vector<16xi32>], vector<16xf32>,
      %swap3A_138 = arith.index_cast %while3A_59 : i32 to index
      %swap3A_139 = arith.constant 112 : index
      %swap3A_140 = tpu.vector_load %arg10[%swap3A_138, %swap3A_139] {strides = array<i32>} : memref<80x128xf32, #tpu.memory_space<vmem>>, vector<16xf32>,
      tpu.vector_store %arg10[%swap3A_138, %swap3A_139], %gather3A_137 {strides = array<i32>} : memref<80x128xf32, #tpu.memory_space<vmem>>, vector<16xf32>,
      %gather3A_141 = tpu.vector_load_idx %arg9[%get3A_136] : memref<10240xf32, #tpu.memory_space<vmem>>[vector<16xi32>], vector<16xf32>,
      %swap3A_142 = arith.index_cast %while3A_59 : i32 to index
      %swap3A_143 = arith.constant 112 : index
      %swap3A_144 = tpu.vector_load %arg11[%swap3A_142, %swap3A_143] {strides = array<i32>} : memref<80x128xf32, #tpu.memory_space<vmem>>, vector<16xf32>,
      tpu.vector_store %arg11[%swap3A_142, %swap3A_143], %gather3A_141 {strides = array<i32>} : memref<80x128xf32, #tpu.memory_space<vmem>>, vector<16xf32>,
      %dma_start3A = arith.constant 0 : i32
      %dma_start3A_145 = tpu.memref_slice %arg10[%while3A_59, %dma_start3A] : memref<80x128xf32, #tpu.memory_space<vmem>> -> memref<1x128xf32, #tpu.memory_space<vmem>>
      %dma_start3A_146 = tpu.memref_squeeze %dma_start3A_145 : memref<1x128xf32, #tpu.memory_space<vmem>> -> memref<128xf32, #tpu.memory_space<vmem>>
      %dma_start3A_147 = arith.constant 0 : i32
      %dma_start3A_148 = tpu.memref_slice %arg7[%while3A_59, %dma_start3A_147] : memref<80x128xi32, #tpu.memory_space<vmem>> -> memref<1x128xi32, #tpu.memory_space<vmem>>
      %dma_start3A_149 = tpu.memref_squeeze %dma_start3A_148 : memref<1x128xi32, #tpu.memory_space<vmem>> -> memref<128xi32, #tpu.memory_space<vmem>>
      %dma_start3A_150 = arith.constant 0 : i32
      %dma_start3A_151 = tpu.memref_slice %arg13[%dma_start3A_150] : memref<10240xf32, #tpu.memory_space<vmem_shared>> -> memref<10240xf32, #tpu.memory_space<vmem_shared>>
      tpu.enqueue_indirect_dma source(%dma_start3A_146 : memref<128xf32, #tpu.memory_space<vmem>>) target(%dma_start3A_151 : memref<10240xf32, #tpu.memory_space<vmem_shared>>) offsets(%dma_start3A_149 : memref<128xi32, #tpu.memory_space<vmem>>) semaphore(%arg15 : memref<!tpu.dma_semaphore, #tpu.memory_space<semaphore_mem>>) {add = true}
      %dma_start3A_152 = arith.constant 0 : i32
      %dma_start3A_153 = tpu.memref_slice %arg11[%while3A_59, %dma_start3A_152] : memref<80x128xf32, #tpu.memory_space<vmem>> -> memref<1x128xf32, #tpu.memory_space<vmem>>
      %dma_start3A_154 = tpu.memref_squeeze %dma_start3A_153 : memref<1x128xf32, #tpu.memory_space<vmem>> -> memref<128xf32, #tpu.memory_space<vmem>>
      %dma_start3A_155 = arith.constant 0 : i32
      %dma_start3A_156 = tpu.memref_slice %arg7[%while3A_59, %dma_start3A_155] : memref<80x128xi32, #tpu.memory_space<vmem>> -> memref<1x128xi32, #tpu.memory_space<vmem>>
      %dma_start3A_157 = tpu.memref_squeeze %dma_start3A_156 : memref<1x128xi32, #tpu.memory_space<vmem>> -> memref<128xi32, #tpu.memory_space<vmem>>
      %dma_start3A_158 = arith.constant 0 : i32
      %dma_start3A_159 = tpu.memref_slice %arg14[%dma_start3A_158] : memref<10240xf32, #tpu.memory_space<vmem_shared>> -> memref<10240xf32, #tpu.memory_space<vmem_shared>>
      tpu.enqueue_indirect_dma source(%dma_start3A_154 : memref<128xf32, #tpu.memory_space<vmem>>) target(%dma_start3A_159 : memref<10240xf32, #tpu.memory_space<vmem_shared>>) offsets(%dma_start3A_157 : memref<128xi32, #tpu.memory_space<vmem>>) semaphore(%arg15 : memref<!tpu.dma_semaphore, #tpu.memory_space<semaphore_mem>>) {add = true}
    }
    %while3A_24 = arith.constant 1 : i32
    scf.for %while3A_59 = %while3A_22 to %while3A_18 step %while3A_24  : i32 {
      %get3A = arith.index_cast %while3A_59 : i32 to index
      %get3A_60 = arith.constant 0 : index
      %get3A_61 = tpu.vector_load %arg6[%get3A, %get3A_60] {strides = array<i32>} : memref<80x128xi32, #tpu.memory_space<vmem>>, vector<16xi32>,
      %gather3A = tpu.vector_load_idx %arg8[%get3A_61] : memref<10240xf32, #tpu.memory_space<vmem>>[vector<16xi32>], vector<16xf32>,
      %swap3A = arith.index_cast %while3A_59 : i32 to index
      %swap3A_62 = arith.constant 0 : index
      %swap3A_63 = tpu.vector_load %arg10[%swap3A, %swap3A_62] {strides = array<i32>} : memref<80x128xf32, #tpu.memory_space<vmem>>, vector<16xf32>,
      tpu.vector_store %arg10[%swap3A, %swap3A_62], %gather3A {strides = array<i32>} : memref<80x128xf32, #tpu.memory_space<vmem>>, vector<16xf32>,
      %gather3A_64 = tpu.vector_load_idx %arg9[%get3A_61] : memref<10240xf32, #tpu.memory_space<vmem>>[vector<16xi32>], vector<16xf32>,
      %swap3A_65 = arith.index_cast %while3A_59 : i32 to index
      %swap3A_66 = arith.constant 0 : index
      %swap3A_67 = tpu.vector_load %arg11[%swap3A_65, %swap3A_66] {strides = array<i32>} : memref<80x128xf32, #tpu.memory_space<vmem>>, vector<16xf32>,
      tpu.vector_store %arg11[%swap3A_65, %swap3A_66], %gather3A_64 {strides = array<i32>} : memref<80x128xf32, #tpu.memory_space<vmem>>, vector<16xf32>,
      %get3A_68 = arith.index_cast %while3A_59 : i32 to index
      %get3A_69 = arith.constant 16 : index
      %get3A_70 = tpu.vector_load %arg6[%get3A_68, %get3A_69] {strides = array<i32>} : memref<80x128xi32, #tpu.memory_space<vmem>>, vector<16xi32>,
      %gather3A_71 = tpu.vector_load_idx %arg8[%get3A_70] : memref<10240xf32, #tpu.memory_space<vmem>>[vector<16xi32>], vector<16xf32>,
      %swap3A_72 = arith.index_cast %while3A_59 : i32 to index
      %swap3A_73 = arith.constant 16 : index
      %swap3A_74 = tpu.vector_load %arg10[%swap3A_72, %swap3A_73] {strides = array<i32>} : memref<80x128xf32, #tpu.memory_space<vmem>>, vector<16xf32>,
      tpu.vector_store %arg10[%swap3A_72, %swap3A_73], %gather3A_71 {strides = array<i32>} : memref<80x128xf32, #tpu.memory_space<vmem>>, vector<16xf32>,
      %gather3A_75 = tpu.vector_load_idx %arg9[%get3A_70] : memref<10240xf32, #tpu.memory_space<vmem>>[vector<16xi32>], vector<16xf32>,
      %swap3A_76 = arith.index_cast %while3A_59 : i32 to index
      %swap3A_77 = arith.constant 16 : index
      %swap3A_78 = tpu.vector_load %arg11[%swap3A_76, %swap3A_77] {strides = array<i32>} : memref<80x128xf32, #tpu.memory_space<vmem>>, vector<16xf32>,
      tpu.vector_store %arg11[%swap3A_76, %swap3A_77], %gather3A_75 {strides = array<i32>} : memref<80x128xf32, #tpu.memory_space<vmem>>, vector<16xf32>,
      %get3A_79 = arith.index_cast %while3A_59 : i32 to index
      %get3A_80 = arith.constant 32 : index
      %get3A_81 = tpu.vector_load %arg6[%get3A_79, %get3A_80] {strides = array<i32>} : memref<80x128xi32, #tpu.memory_space<vmem>>, vector<16xi32>,
      %gather3A_82 = tpu.vector_load_idx %arg8[%get3A_81] : memref<10240xf32, #tpu.memory_space<vmem>>[vector<16xi32>], vector<16xf32>,
      %swap3A_83 = arith.index_cast %while3A_59 : i32 to index
      %swap3A_84 = arith.constant 32 : index
      %swap3A_85 = tpu.vector_load %arg10[%swap3A_83, %swap3A_84] {strides = array<i32>} : memref<80x128xf32, #tpu.memory_space<vmem>>, vector<16xf32>,
      tpu.vector_store %arg10[%swap3A_83, %swap3A_84], %gather3A_82 {strides = array<i32>} : memref<80x128xf32, #tpu.memory_space<vmem>>, vector<16xf32>,
      %gather3A_86 = tpu.vector_load_idx %arg9[%get3A_81] : memref<10240xf32, #tpu.memory_space<vmem>>[vector<16xi32>], vector<16xf32>,
      %swap3A_87 = arith.index_cast %while3A_59 : i32 to index
      %swap3A_88 = arith.constant 32 : index
      %swap3A_89 = tpu.vector_load %arg11[%swap3A_87, %swap3A_88] {strides = array<i32>} : memref<80x128xf32, #tpu.memory_space<vmem>>, vector<16xf32>,
      tpu.vector_store %arg11[%swap3A_87, %swap3A_88], %gather3A_86 {strides = array<i32>} : memref<80x128xf32, #tpu.memory_space<vmem>>, vector<16xf32>,
      %get3A_90 = arith.index_cast %while3A_59 : i32 to index
      %get3A_91 = arith.constant 48 : index
      %get3A_92 = tpu.vector_load %arg6[%get3A_90, %get3A_91] {strides = array<i32>} : memref<80x128xi32, #tpu.memory_space<vmem>>, vector<16xi32>,
      %gather3A_93 = tpu.vector_load_idx %arg8[%get3A_92] : memref<10240xf32, #tpu.memory_space<vmem>>[vector<16xi32>], vector<16xf32>,
      %swap3A_94 = arith.index_cast %while3A_59 : i32 to index
      %swap3A_95 = arith.constant 48 : index
      %swap3A_96 = tpu.vector_load %arg10[%swap3A_94, %swap3A_95] {strides = array<i32>} : memref<80x128xf32, #tpu.memory_space<vmem>>, vector<16xf32>,
      tpu.vector_store %arg10[%swap3A_94, %swap3A_95], %gather3A_93 {strides = array<i32>} : memref<80x128xf32, #tpu.memory_space<vmem>>, vector<16xf32>,
      %gather3A_97 = tpu.vector_load_idx %arg9[%get3A_92] : memref<10240xf32, #tpu.memory_space<vmem>>[vector<16xi32>], vector<16xf32>,
      %swap3A_98 = arith.index_cast %while3A_59 : i32 to index
      %swap3A_99 = arith.constant 48 : index
      %swap3A_100 = tpu.vector_load %arg11[%swap3A_98, %swap3A_99] {strides = array<i32>} : memref<80x128xf32, #tpu.memory_space<vmem>>, vector<16xf32>,
      tpu.vector_store %arg11[%swap3A_98, %swap3A_99], %gather3A_97 {strides = array<i32>} : memref<80x128xf32, #tpu.memory_space<vmem>>, vector<16xf32>,
      %get3A_101 = arith.index_cast %while3A_59 : i32 to index
      %get3A_102 = arith.constant 64 : index
      %get3A_103 = tpu.vector_load %arg6[%get3A_101, %get3A_102] {strides = array<i32>} : memref<80x128xi32, #tpu.memory_space<vmem>>, vector<16xi32>,
      %gather3A_104 = tpu.vector_load_idx %arg8[%get3A_103] : memref<10240xf32, #tpu.memory_space<vmem>>[vector<16xi32>], vector<16xf32>,
      %swap3A_105 = arith.index_cast %while3A_59 : i32 to index
      %swap3A_106 = arith.constant 64 : index
      %swap3A_107 = tpu.vector_load %arg10[%swap3A_105, %swap3A_106] {strides = array<i32>} : memref<80x128xf32, #tpu.memory_space<vmem>>, vector<16xf32>,
      tpu.vector_store %arg10[%swap3A_105, %swap3A_106], %gather3A_104 {strides = array<i32>} : memref<80x128xf32, #tpu.memory_space<vmem>>, vector<16xf32>,
      %gather3A_108 = tpu.vector_load_idx %arg9[%get3A_103] : memref<10240xf32, #tpu.memory_space<vmem>>[vector<16xi32>], vector<16xf32>,
      %swap3A_109 = arith.index_cast %while3A_59 : i32 to index
      %swap3A_110 = arith.constant 64 : index
      %swap3A_111 = tpu.vector_load %arg11[%swap3A_109, %swap3A_110] {strides = array<i32>} : memref<80x128xf32, #tpu.memory_space<vmem>>, vector<16xf32>,
      tpu.vector_store %arg11[%swap3A_109, %swap3A_110], %gather3A_108 {strides = array<i32>} : memref<80x128xf32, #tpu.memory_space<vmem>>, vector<16xf32>,
      %get3A_112 = arith.index_cast %while3A_59 : i32 to index
      %get3A_113 = arith.constant 80 : index
      %get3A_114 = tpu.vector_load %arg6[%get3A_112, %get3A_113] {strides = array<i32>} : memref<80x128xi32, #tpu.memory_space<vmem>>, vector<16xi32>,
      %gather3A_115 = tpu.vector_load_idx %arg8[%get3A_114] : memref<10240xf32, #tpu.memory_space<vmem>>[vector<16xi32>], vector<16xf32>,
      %swap3A_116 = arith.index_cast %while3A_59 : i32 to index
      %swap3A_117 = arith.constant 80 : index
      %swap3A_118 = tpu.vector_load %arg10[%swap3A_116, %swap3A_117] {strides = array<i32>} : memref<80x128xf32, #tpu.memory_space<vmem>>, vector<16xf32>,
      tpu.vector_store %arg10[%swap3A_116, %swap3A_117], %gather3A_115 {strides = array<i32>} : memref<80x128xf32, #tpu.memory_space<vmem>>, vector<16xf32>,
      %gather3A_119 = tpu.vector_load_idx %arg9[%get3A_114] : memref<10240xf32, #tpu.memory_space<vmem>>[vector<16xi32>], vector<16xf32>,
      %swap3A_120 = arith.index_cast %while3A_59 : i32 to index
      %swap3A_121 = arith.constant 80 : index
      %swap3A_122 = tpu.vector_load %arg11[%swap3A_120, %swap3A_121] {strides = array<i32>} : memref<80x128xf32, #tpu.memory_space<vmem>>, vector<16xf32>,
      tpu.vector_store %arg11[%swap3A_120, %swap3A_121], %gather3A_119 {strides = array<i32>} : memref<80x128xf32, #tpu.memory_space<vmem>>, vector<16xf32>,
      %get3A_123 = arith.index_cast %while3A_59 : i32 to index
      %get3A_124 = arith.constant 96 : index
      %get3A_125 = tpu.vector_load %arg6[%get3A_123, %get3A_124] {strides = array<i32>} : memref<80x128xi32, #tpu.memory_space<vmem>>, vector<16xi32>,
      %gather3A_126 = tpu.vector_load_idx %arg8[%get3A_125] : memref<10240xf32, #tpu.memory_space<vmem>>[vector<16xi32>], vector<16xf32>,
      %swap3A_127 = arith.index_cast %while3A_59 : i32 to index
      %swap3A_128 = arith.constant 96 : index
      %swap3A_129 = tpu.vector_load %arg10[%swap3A_127, %swap3A_128] {strides = array<i32>} : memref<80x128xf32, #tpu.memory_space<vmem>>, vector<16xf32>,
      tpu.vector_store %arg10[%swap3A_127, %swap3A_128], %gather3A_126 {strides = array<i32>} : memref<80x128xf32, #tpu.memory_space<vmem>>, vector<16xf32>,
      %gather3A_130 = tpu.vector_load_idx %arg9[%get3A_125] : memref<10240xf32, #tpu.memory_space<vmem>>[vector<16xi32>], vector<16xf32>,
      %swap3A_131 = arith.index_cast %while3A_59 : i32 to index
      %swap3A_132 = arith.constant 96 : index
      %swap3A_133 = tpu.vector_load %arg11[%swap3A_131, %swap3A_132] {strides = array<i32>} : memref<80x128xf32, #tpu.memory_space<vmem>>, vector<16xf32>,
      tpu.vector_store %arg11[%swap3A_131, %swap3A_132], %gather3A_130 {strides = array<i32>} : memref<80x128xf32, #tpu.memory_space<vmem>>, vector<16xf32>,
      %get3A_134 = arith.index_cast %while3A_59 : i32 to index
      %get3A_135 = arith.constant 112 : index
      %get3A_136 = tpu.vector_load %arg6[%get3A_134, %get3A_135] {strides = array<i32>} : memref<80x128xi32, #tpu.memory_space<vmem>>, vector<16xi32>,
      %gather3A_137 = tpu.vector_load_idx %arg8[%get3A_136] : memref<10240xf32, #tpu.memory_space<vmem>>[vector<16xi32>], vector<16xf32>,
      %swap3A_138 = arith.index_cast %while3A_59 : i32 to index
      %swap3A_139 = arith.constant 112 : index
      %swap3A_140 = tpu.vector_load %arg10[%swap3A_138, %swap3A_139] {strides = array<i32>} : memref<80x128xf32, #tpu.memory_space<vmem>>, vector<16xf32>,
      tpu.vector_store %arg10[%swap3A_138, %swap3A_139], %gather3A_137 {strides = array<i32>} : memref<80x128xf32, #tpu.memory_space<vmem>>, vector<16xf32>,
      %gather3A_141 = tpu.vector_load_idx %arg9[%get3A_136] : memref<10240xf32, #tpu.memory_space<vmem>>[vector<16xi32>], vector<16xf32>,
      %swap3A_142 = arith.index_cast %while3A_59 : i32 to index
      %swap3A_143 = arith.constant 112 : index
      %swap3A_144 = tpu.vector_load %arg11[%swap3A_142, %swap3A_143] {strides = array<i32>} : memref<80x128xf32, #tpu.memory_space<vmem>>, vector<16xf32>,
      tpu.vector_store %arg11[%swap3A_142, %swap3A_143], %gather3A_141 {strides = array<i32>} : memref<80x128xf32, #tpu.memory_space<vmem>>, vector<16xf32>,
      %dma_start3A = arith.constant 0 : i32
      %dma_start3A_145 = tpu.memref_slice %arg10[%while3A_59, %dma_start3A] : memref<80x128xf32, #tpu.memory_space<vmem>> -> memref<1x128xf32, #tpu.memory_space<vmem>>
      %dma_start3A_146 = tpu.memref_squeeze %dma_start3A_145 : memref<1x128xf32, #tpu.memory_space<vmem>> -> memref<128xf32, #tpu.memory_space<vmem>>
      %dma_start3A_147 = arith.constant 0 : i32
      %dma_start3A_148 = tpu.memref_slice %arg7[%while3A_59, %dma_start3A_147] : memref<80x128xi32, #tpu.memory_space<vmem>> -> memref<1x128xi32, #tpu.memory_space<vmem>>
      %dma_start3A_149 = tpu.memref_squeeze %dma_start3A_148 : memref<1x128xi32, #tpu.memory_space<vmem>> -> memref<128xi32, #tpu.memory_space<vmem>>
      %dma_start3A_150 = arith.constant 0 : i32
      %dma_start3A_151 = tpu.memref_slice %arg13[%dma_start3A_150] : memref<10240xf32, #tpu.memory_space<vmem_shared>> -> memref<10240xf32, #tpu.memory_space<vmem_shared>>
      tpu.enqueue_indirect_dma source(%dma_start3A_146 : memref<128xf32, #tpu.memory_space<vmem>>) target(%dma_start3A_151 : memref<10240xf32, #tpu.memory_space<vmem_shared>>) offsets(%dma_start3A_149 : memref<128xi32, #tpu.memory_space<vmem>>) semaphore(%arg15 : memref<!tpu.dma_semaphore, #tpu.memory_space<semaphore_mem>>) {add = true}
      %dma_start3A_152 = arith.constant 0 : i32
      %dma_start3A_153 = tpu.memref_slice %arg11[%while3A_59, %dma_start3A_152] : memref<80x128xf32, #tpu.memory_space<vmem>> -> memref<1x128xf32, #tpu.memory_space<vmem>>
      %dma_start3A_154 = tpu.memref_squeeze %dma_start3A_153 : memref<1x128xf32, #tpu.memory_space<vmem>> -> memref<128xf32, #tpu.memory_space<vmem>>
      %dma_start3A_155 = arith.constant 0 : i32
      %dma_start3A_156 = tpu.memref_slice %arg7[%while3A_59, %dma_start3A_155] : memref<80x128xi32, #tpu.memory_space<vmem>> -> memref<1x128xi32, #tpu.memory_space<vmem>>
      %dma_start3A_157 = tpu.memref_squeeze %dma_start3A_156 : memref<1x128xi32, #tpu.memory_space<vmem>> -> memref<128xi32, #tpu.memory_space<vmem>>
      %dma_start3A_158 = arith.constant 0 : i32
      %dma_start3A_159 = tpu.memref_slice %arg14[%dma_start3A_158] : memref<10240xf32, #tpu.memory_space<vmem_shared>> -> memref<10240xf32, #tpu.memory_space<vmem_shared>>
      tpu.enqueue_indirect_dma source(%dma_start3A_154 : memref<128xf32, #tpu.memory_space<vmem>>) target(%dma_start3A_159 : memref<10240xf32, #tpu.memory_space<vmem_shared>>) offsets(%dma_start3A_157 : memref<128xi32, #tpu.memory_space<vmem>>) semaphore(%arg15 : memref<!tpu.dma_semaphore, #tpu.memory_space<semaphore_mem>>) {add = true}
    }
    %while3A_25 = arith.constant 14 : i32
    %while3A_26 = arith.subi %select_n3A, %while3A_25 : i32
    %while3A_27 = arith.addi %while3A_25, %while3A_26 : i32
    %while3A_28 = arith.constant 1 : i32
    %while3A_29 = arith.divsi %while3A_26, %while3A_28 : i32
    %while3A_30 = arith.muli %while3A_29, %while3A_28 : i32
    %while3A_31 = arith.addi %while3A_25, %while3A_30 : i32
    %while3A_32 = arith.constant 1 : i32
    scf.for %while3A_59 = %while3A_25 to %while3A_31 step %while3A_32  : i32 {
      %get3A = arith.index_cast %while3A_59 : i32 to index
      %get3A_60 = arith.constant 0 : index
      %get3A_61 = tpu.vector_load %arg6[%get3A, %get3A_60] {strides = array<i32>} : memref<80x128xi32, #tpu.memory_space<vmem>>, vector<16xi32>,
      %gather3A = tpu.vector_load_idx %arg8[%get3A_61] : memref<10240xf32, #tpu.memory_space<vmem>>[vector<16xi32>], vector<16xf32>,
      %swap3A = arith.index_cast %while3A_59 : i32 to index
      %swap3A_62 = arith.constant 0 : index
      %swap3A_63 = tpu.vector_load %arg10[%swap3A, %swap3A_62] {strides = array<i32>} : memref<80x128xf32, #tpu.memory_space<vmem>>, vector<16xf32>,
      tpu.vector_store %arg10[%swap3A, %swap3A_62], %gather3A {strides = array<i32>} : memref<80x128xf32, #tpu.memory_space<vmem>>, vector<16xf32>,
      %gather3A_64 = tpu.vector_load_idx %arg9[%get3A_61] : memref<10240xf32, #tpu.memory_space<vmem>>[vector<16xi32>], vector<16xf32>,
      %swap3A_65 = arith.index_cast %while3A_59 : i32 to index
      %swap3A_66 = arith.constant 0 : index
      %swap3A_67 = tpu.vector_load %arg11[%swap3A_65, %swap3A_66] {strides = array<i32>} : memref<80x128xf32, #tpu.memory_space<vmem>>, vector<16xf32>,
      tpu.vector_store %arg11[%swap3A_65, %swap3A_66], %gather3A_64 {strides = array<i32>} : memref<80x128xf32, #tpu.memory_space<vmem>>, vector<16xf32>,
      %get3A_68 = arith.index_cast %while3A_59 : i32 to index
      %get3A_69 = arith.constant 16 : index
      %get3A_70 = tpu.vector_load %arg6[%get3A_68, %get3A_69] {strides = array<i32>} : memref<80x128xi32, #tpu.memory_space<vmem>>, vector<16xi32>,
      %gather3A_71 = tpu.vector_load_idx %arg8[%get3A_70] : memref<10240xf32, #tpu.memory_space<vmem>>[vector<16xi32>], vector<16xf32>,
      %swap3A_72 = arith.index_cast %while3A_59 : i32 to index
      %swap3A_73 = arith.constant 16 : index
      %swap3A_74 = tpu.vector_load %arg10[%swap3A_72, %swap3A_73] {strides = array<i32>} : memref<80x128xf32, #tpu.memory_space<vmem>>, vector<16xf32>,
      tpu.vector_store %arg10[%swap3A_72, %swap3A_73], %gather3A_71 {strides = array<i32>} : memref<80x128xf32, #tpu.memory_space<vmem>>, vector<16xf32>,
      %gather3A_75 = tpu.vector_load_idx %arg9[%get3A_70] : memref<10240xf32, #tpu.memory_space<vmem>>[vector<16xi32>], vector<16xf32>,
      %swap3A_76 = arith.index_cast %while3A_59 : i32 to index
      %swap3A_77 = arith.constant 16 : index
      %swap3A_78 = tpu.vector_load %arg11[%swap3A_76, %swap3A_77] {strides = array<i32>} : memref<80x128xf32, #tpu.memory_space<vmem>>, vector<16xf32>,
      tpu.vector_store %arg11[%swap3A_76, %swap3A_77], %gather3A_75 {strides = array<i32>} : memref<80x128xf32, #tpu.memory_space<vmem>>, vector<16xf32>,
      %get3A_79 = arith.index_cast %while3A_59 : i32 to index
      %get3A_80 = arith.constant 32 : index
      %get3A_81 = tpu.vector_load %arg6[%get3A_79, %get3A_80] {strides = array<i32>} : memref<80x128xi32, #tpu.memory_space<vmem>>, vector<16xi32>,
      %gather3A_82 = tpu.vector_load_idx %arg8[%get3A_81] : memref<10240xf32, #tpu.memory_space<vmem>>[vector<16xi32>], vector<16xf32>,
      %swap3A_83 = arith.index_cast %while3A_59 : i32 to index
      %swap3A_84 = arith.constant 32 : index
      %swap3A_85 = tpu.vector_load %arg10[%swap3A_83, %swap3A_84] {strides = array<i32>} : memref<80x128xf32, #tpu.memory_space<vmem>>, vector<16xf32>,
      tpu.vector_store %arg10[%swap3A_83, %swap3A_84], %gather3A_82 {strides = array<i32>} : memref<80x128xf32, #tpu.memory_space<vmem>>, vector<16xf32>,
      %gather3A_86 = tpu.vector_load_idx %arg9[%get3A_81] : memref<10240xf32, #tpu.memory_space<vmem>>[vector<16xi32>], vector<16xf32>,
      %swap3A_87 = arith.index_cast %while3A_59 : i32 to index
      %swap3A_88 = arith.constant 32 : index
      %swap3A_89 = tpu.vector_load %arg11[%swap3A_87, %swap3A_88] {strides = array<i32>} : memref<80x128xf32, #tpu.memory_space<vmem>>, vector<16xf32>,
      tpu.vector_store %arg11[%swap3A_87, %swap3A_88], %gather3A_86 {strides = array<i32>} : memref<80x128xf32, #tpu.memory_space<vmem>>, vector<16xf32>,
      %get3A_90 = arith.index_cast %while3A_59 : i32 to index
      %get3A_91 = arith.constant 48 : index
      %get3A_92 = tpu.vector_load %arg6[%get3A_90, %get3A_91] {strides = array<i32>} : memref<80x128xi32, #tpu.memory_space<vmem>>, vector<16xi32>,
      %gather3A_93 = tpu.vector_load_idx %arg8[%get3A_92] : memref<10240xf32, #tpu.memory_space<vmem>>[vector<16xi32>], vector<16xf32>,
      %swap3A_94 = arith.index_cast %while3A_59 : i32 to index
      %swap3A_95 = arith.constant 48 : index
      %swap3A_96 = tpu.vector_load %arg10[%swap3A_94, %swap3A_95] {strides = array<i32>} : memref<80x128xf32, #tpu.memory_space<vmem>>, vector<16xf32>,
      tpu.vector_store %arg10[%swap3A_94, %swap3A_95], %gather3A_93 {strides = array<i32>} : memref<80x128xf32, #tpu.memory_space<vmem>>, vector<16xf32>,
      %gather3A_97 = tpu.vector_load_idx %arg9[%get3A_92] : memref<10240xf32, #tpu.memory_space<vmem>>[vector<16xi32>], vector<16xf32>,
      %swap3A_98 = arith.index_cast %while3A_59 : i32 to index
      %swap3A_99 = arith.constant 48 : index
      %swap3A_100 = tpu.vector_load %arg11[%swap3A_98, %swap3A_99] {strides = array<i32>} : memref<80x128xf32, #tpu.memory_space<vmem>>, vector<16xf32>,
      tpu.vector_store %arg11[%swap3A_98, %swap3A_99], %gather3A_97 {strides = array<i32>} : memref<80x128xf32, #tpu.memory_space<vmem>>, vector<16xf32>,
      %get3A_101 = arith.index_cast %while3A_59 : i32 to index
      %get3A_102 = arith.constant 64 : index
      %get3A_103 = tpu.vector_load %arg6[%get3A_101, %get3A_102] {strides = array<i32>} : memref<80x128xi32, #tpu.memory_space<vmem>>, vector<16xi32>,
      %gather3A_104 = tpu.vector_load_idx %arg8[%get3A_103] : memref<10240xf32, #tpu.memory_space<vmem>>[vector<16xi32>], vector<16xf32>,
      %swap3A_105 = arith.index_cast %while3A_59 : i32 to index
      %swap3A_106 = arith.constant 64 : index
      %swap3A_107 = tpu.vector_load %arg10[%swap3A_105, %swap3A_106] {strides = array<i32>} : memref<80x128xf32, #tpu.memory_space<vmem>>, vector<16xf32>,
      tpu.vector_store %arg10[%swap3A_105, %swap3A_106], %gather3A_104 {strides = array<i32>} : memref<80x128xf32, #tpu.memory_space<vmem>>, vector<16xf32>,
      %gather3A_108 = tpu.vector_load_idx %arg9[%get3A_103] : memref<10240xf32, #tpu.memory_space<vmem>>[vector<16xi32>], vector<16xf32>,
      %swap3A_109 = arith.index_cast %while3A_59 : i32 to index
      %swap3A_110 = arith.constant 64 : index
      %swap3A_111 = tpu.vector_load %arg11[%swap3A_109, %swap3A_110] {strides = array<i32>} : memref<80x128xf32, #tpu.memory_space<vmem>>, vector<16xf32>,
      tpu.vector_store %arg11[%swap3A_109, %swap3A_110], %gather3A_108 {strides = array<i32>} : memref<80x128xf32, #tpu.memory_space<vmem>>, vector<16xf32>,
      %get3A_112 = arith.index_cast %while3A_59 : i32 to index
      %get3A_113 = arith.constant 80 : index
      %get3A_114 = tpu.vector_load %arg6[%get3A_112, %get3A_113] {strides = array<i32>} : memref<80x128xi32, #tpu.memory_space<vmem>>, vector<16xi32>,
      %gather3A_115 = tpu.vector_load_idx %arg8[%get3A_114] : memref<10240xf32, #tpu.memory_space<vmem>>[vector<16xi32>], vector<16xf32>,
      %swap3A_116 = arith.index_cast %while3A_59 : i32 to index
      %swap3A_117 = arith.constant 80 : index
      %swap3A_118 = tpu.vector_load %arg10[%swap3A_116, %swap3A_117] {strides = array<i32>} : memref<80x128xf32, #tpu.memory_space<vmem>>, vector<16xf32>,
      tpu.vector_store %arg10[%swap3A_116, %swap3A_117], %gather3A_115 {strides = array<i32>} : memref<80x128xf32, #tpu.memory_space<vmem>>, vector<16xf32>,
      %gather3A_119 = tpu.vector_load_idx %arg9[%get3A_114] : memref<10240xf32, #tpu.memory_space<vmem>>[vector<16xi32>], vector<16xf32>,
      %swap3A_120 = arith.index_cast %while3A_59 : i32 to index
      %swap3A_121 = arith.constant 80 : index
      %swap3A_122 = tpu.vector_load %arg11[%swap3A_120, %swap3A_121] {strides = array<i32>} : memref<80x128xf32, #tpu.memory_space<vmem>>, vector<16xf32>,
      tpu.vector_store %arg11[%swap3A_120, %swap3A_121], %gather3A_119 {strides = array<i32>} : memref<80x128xf32, #tpu.memory_space<vmem>>, vector<16xf32>,
      %get3A_123 = arith.index_cast %while3A_59 : i32 to index
      %get3A_124 = arith.constant 96 : index
      %get3A_125 = tpu.vector_load %arg6[%get3A_123, %get3A_124] {strides = array<i32>} : memref<80x128xi32, #tpu.memory_space<vmem>>, vector<16xi32>,
      %gather3A_126 = tpu.vector_load_idx %arg8[%get3A_125] : memref<10240xf32, #tpu.memory_space<vmem>>[vector<16xi32>], vector<16xf32>,
      %swap3A_127 = arith.index_cast %while3A_59 : i32 to index
      %swap3A_128 = arith.constant 96 : index
      %swap3A_129 = tpu.vector_load %arg10[%swap3A_127, %swap3A_128] {strides = array<i32>} : memref<80x128xf32, #tpu.memory_space<vmem>>, vector<16xf32>,
      tpu.vector_store %arg10[%swap3A_127, %swap3A_128], %gather3A_126 {strides = array<i32>} : memref<80x128xf32, #tpu.memory_space<vmem>>, vector<16xf32>,
      %gather3A_130 = tpu.vector_load_idx %arg9[%get3A_125] : memref<10240xf32, #tpu.memory_space<vmem>>[vector<16xi32>], vector<16xf32>,
      %swap3A_131 = arith.index_cast %while3A_59 : i32 to index
      %swap3A_132 = arith.constant 96 : index
      %swap3A_133 = tpu.vector_load %arg11[%swap3A_131, %swap3A_132] {strides = array<i32>} : memref<80x128xf32, #tpu.memory_space<vmem>>, vector<16xf32>,
      tpu.vector_store %arg11[%swap3A_131, %swap3A_132], %gather3A_130 {strides = array<i32>} : memref<80x128xf32, #tpu.memory_space<vmem>>, vector<16xf32>,
      %get3A_134 = arith.index_cast %while3A_59 : i32 to index
      %get3A_135 = arith.constant 112 : index
      %get3A_136 = tpu.vector_load %arg6[%get3A_134, %get3A_135] {strides = array<i32>} : memref<80x128xi32, #tpu.memory_space<vmem>>, vector<16xi32>,
      %gather3A_137 = tpu.vector_load_idx %arg8[%get3A_136] : memref<10240xf32, #tpu.memory_space<vmem>>[vector<16xi32>], vector<16xf32>,
      %swap3A_138 = arith.index_cast %while3A_59 : i32 to index
      %swap3A_139 = arith.constant 112 : index
      %swap3A_140 = tpu.vector_load %arg10[%swap3A_138, %swap3A_139] {strides = array<i32>} : memref<80x128xf32, #tpu.memory_space<vmem>>, vector<16xf32>,
      tpu.vector_store %arg10[%swap3A_138, %swap3A_139], %gather3A_137 {strides = array<i32>} : memref<80x128xf32, #tpu.memory_space<vmem>>, vector<16xf32>,
      %gather3A_141 = tpu.vector_load_idx %arg9[%get3A_136] : memref<10240xf32, #tpu.memory_space<vmem>>[vector<16xi32>], vector<16xf32>,
      %swap3A_142 = arith.index_cast %while3A_59 : i32 to index
      %swap3A_143 = arith.constant 112 : index
      %swap3A_144 = tpu.vector_load %arg11[%swap3A_142, %swap3A_143] {strides = array<i32>} : memref<80x128xf32, #tpu.memory_space<vmem>>, vector<16xf32>,
      tpu.vector_store %arg11[%swap3A_142, %swap3A_143], %gather3A_141 {strides = array<i32>} : memref<80x128xf32, #tpu.memory_space<vmem>>, vector<16xf32>,
      %dma_start3A = arith.constant 0 : i32
      %dma_start3A_145 = tpu.memref_slice %arg10[%while3A_59, %dma_start3A] : memref<80x128xf32, #tpu.memory_space<vmem>> -> memref<1x128xf32, #tpu.memory_space<vmem>>
      %dma_start3A_146 = tpu.memref_squeeze %dma_start3A_145 : memref<1x128xf32, #tpu.memory_space<vmem>> -> memref<128xf32, #tpu.memory_space<vmem>>
      %dma_start3A_147 = arith.constant 0 : i32
      %dma_start3A_148 = tpu.memref_slice %arg7[%while3A_59, %dma_start3A_147] : memref<80x128xi32, #tpu.memory_space<vmem>> -> memref<1x128xi32, #tpu.memory_space<vmem>>
      %dma_start3A_149 = tpu.memref_squeeze %dma_start3A_148 : memref<1x128xi32, #tpu.memory_space<vmem>> -> memref<128xi32, #tpu.memory_space<vmem>>
      %dma_start3A_150 = arith.constant 0 : i32
      %dma_start3A_151 = tpu.memref_slice %arg13[%dma_start3A_150] : memref<10240xf32, #tpu.memory_space<vmem_shared>> -> memref<10240xf32, #tpu.memory_space<vmem_shared>>
      tpu.enqueue_indirect_dma source(%dma_start3A_146 : memref<128xf32, #tpu.memory_space<vmem>>) target(%dma_start3A_151 : memref<10240xf32, #tpu.memory_space<vmem_shared>>) offsets(%dma_start3A_149 : memref<128xi32, #tpu.memory_space<vmem>>) semaphore(%arg15 : memref<!tpu.dma_semaphore, #tpu.memory_space<semaphore_mem>>) {add = true}
      %dma_start3A_152 = arith.constant 0 : i32
      %dma_start3A_153 = tpu.memref_slice %arg11[%while3A_59, %dma_start3A_152] : memref<80x128xf32, #tpu.memory_space<vmem>> -> memref<1x128xf32, #tpu.memory_space<vmem>>
      %dma_start3A_154 = tpu.memref_squeeze %dma_start3A_153 : memref<1x128xf32, #tpu.memory_space<vmem>> -> memref<128xf32, #tpu.memory_space<vmem>>
      %dma_start3A_155 = arith.constant 0 : i32
      %dma_start3A_156 = tpu.memref_slice %arg7[%while3A_59, %dma_start3A_155] : memref<80x128xi32, #tpu.memory_space<vmem>> -> memref<1x128xi32, #tpu.memory_space<vmem>>
      %dma_start3A_157 = tpu.memref_squeeze %dma_start3A_156 : memref<1x128xi32, #tpu.memory_space<vmem>> -> memref<128xi32, #tpu.memory_space<vmem>>
      %dma_start3A_158 = arith.constant 0 : i32
      %dma_start3A_159 = tpu.memref_slice %arg14[%dma_start3A_158] : memref<10240xf32, #tpu.memory_space<vmem_shared>> -> memref<10240xf32, #tpu.memory_space<vmem_shared>>
      tpu.enqueue_indirect_dma source(%dma_start3A_154 : memref<128xf32, #tpu.memory_space<vmem>>) target(%dma_start3A_159 : memref<10240xf32, #tpu.memory_space<vmem_shared>>) offsets(%dma_start3A_157 : memref<128xi32, #tpu.memory_space<vmem>>) semaphore(%arg15 : memref<!tpu.dma_semaphore, #tpu.memory_space<semaphore_mem>>) {add = true}
      %sub3A_160 = arith.constant 14 : i32
      %sub3A_161 = arith.subi %while3A_59, %sub3A_160 : i32
      %dma_wait3A = arith.constant 0 : i32
      %dma_wait3A_162 = tpu.memref_slice %arg10[%sub3A_161, %dma_wait3A] : memref<80x128xf32, #tpu.memory_space<vmem>> -> memref<1x128xf32, #tpu.memory_space<vmem>>
      %dma_wait3A_163 = tpu.memref_squeeze %dma_wait3A_162 : memref<1x128xf32, #tpu.memory_space<vmem>> -> memref<128xf32, #tpu.memory_space<vmem>>
      %dma_wait3A_164 = arith.constant 0 : i32
      %dma_wait3A_165 = tpu.memref_slice %arg7[%sub3A_161, %dma_wait3A_164] : memref<80x128xi32, #tpu.memory_space<vmem>> -> memref<1x128xi32, #tpu.memory_space<vmem>>
      %dma_wait3A_166 = tpu.memref_squeeze %dma_wait3A_165 : memref<1x128xi32, #tpu.memory_space<vmem>> -> memref<128xi32, #tpu.memory_space<vmem>>
      %dma_wait3A_167 = arith.constant 0 : i32
      %dma_wait3A_168 = tpu.memref_slice %arg13[%dma_wait3A_167] : memref<10240xf32, #tpu.memory_space<vmem_shared>> -> memref<10240xf32, #tpu.memory_space<vmem_shared>>
      tpu.wait_indirect_dma semaphore(%arg15 : memref<!tpu.dma_semaphore, #tpu.memory_space<semaphore_mem>>) src(%dma_wait3A_163 : memref<128xf32, #tpu.memory_space<vmem>>) dst(%dma_wait3A_168 : memref<10240xf32, #tpu.memory_space<vmem_shared>>)
      %dma_wait3A_169 = arith.constant 0 : i32
      %dma_wait3A_170 = tpu.memref_slice %arg11[%sub3A_161, %dma_wait3A_169] : memref<80x128xf32, #tpu.memory_space<vmem>> -> memref<1x128xf32, #tpu.memory_space<vmem>>
      %dma_wait3A_171 = tpu.memref_squeeze %dma_wait3A_170 : memref<1x128xf32, #tpu.memory_space<vmem>> -> memref<128xf32, #tpu.memory_space<vmem>>
      %dma_wait3A_172 = arith.constant 0 : i32
      %dma_wait3A_173 = tpu.memref_slice %arg7[%sub3A_161, %dma_wait3A_172] : memref<80x128xi32, #tpu.memory_space<vmem>> -> memref<1x128xi32, #tpu.memory_space<vmem>>
      %dma_wait3A_174 = tpu.memref_squeeze %dma_wait3A_173 : memref<1x128xi32, #tpu.memory_space<vmem>> -> memref<128xi32, #tpu.memory_space<vmem>>
      %dma_wait3A_175 = arith.constant 0 : i32
      %dma_wait3A_176 = tpu.memref_slice %arg14[%dma_wait3A_175] : memref<10240xf32, #tpu.memory_space<vmem_shared>> -> memref<10240xf32, #tpu.memory_space<vmem_shared>>
      tpu.wait_indirect_dma semaphore(%arg15 : memref<!tpu.dma_semaphore, #tpu.memory_space<semaphore_mem>>) src(%dma_wait3A_171 : memref<128xf32, #tpu.memory_space<vmem>>) dst(%dma_wait3A_176 : memref<10240xf32, #tpu.memory_space<vmem_shared>>)
    }
    %while3A_33 = arith.constant 1 : i32
    scf.for %while3A_59 = %while3A_31 to %while3A_27 step %while3A_33  : i32 {
      %get3A = arith.index_cast %while3A_59 : i32 to index
      %get3A_60 = arith.constant 0 : index
      %get3A_61 = tpu.vector_load %arg6[%get3A, %get3A_60] {strides = array<i32>} : memref<80x128xi32, #tpu.memory_space<vmem>>, vector<16xi32>,
      %gather3A = tpu.vector_load_idx %arg8[%get3A_61] : memref<10240xf32, #tpu.memory_space<vmem>>[vector<16xi32>], vector<16xf32>,
      %swap3A = arith.index_cast %while3A_59 : i32 to index
      %swap3A_62 = arith.constant 0 : index
      %swap3A_63 = tpu.vector_load %arg10[%swap3A, %swap3A_62] {strides = array<i32>} : memref<80x128xf32, #tpu.memory_space<vmem>>, vector<16xf32>,
      tpu.vector_store %arg10[%swap3A, %swap3A_62], %gather3A {strides = array<i32>} : memref<80x128xf32, #tpu.memory_space<vmem>>, vector<16xf32>,
      %gather3A_64 = tpu.vector_load_idx %arg9[%get3A_61] : memref<10240xf32, #tpu.memory_space<vmem>>[vector<16xi32>], vector<16xf32>,
      %swap3A_65 = arith.index_cast %while3A_59 : i32 to index
      %swap3A_66 = arith.constant 0 : index
      %swap3A_67 = tpu.vector_load %arg11[%swap3A_65, %swap3A_66] {strides = array<i32>} : memref<80x128xf32, #tpu.memory_space<vmem>>, vector<16xf32>,
      tpu.vector_store %arg11[%swap3A_65, %swap3A_66], %gather3A_64 {strides = array<i32>} : memref<80x128xf32, #tpu.memory_space<vmem>>, vector<16xf32>,
      %get3A_68 = arith.index_cast %while3A_59 : i32 to index
      %get3A_69 = arith.constant 16 : index
      %get3A_70 = tpu.vector_load %arg6[%get3A_68, %get3A_69] {strides = array<i32>} : memref<80x128xi32, #tpu.memory_space<vmem>>, vector<16xi32>,
      %gather3A_71 = tpu.vector_load_idx %arg8[%get3A_70] : memref<10240xf32, #tpu.memory_space<vmem>>[vector<16xi32>], vector<16xf32>,
      %swap3A_72 = arith.index_cast %while3A_59 : i32 to index
      %swap3A_73 = arith.constant 16 : index
      %swap3A_74 = tpu.vector_load %arg10[%swap3A_72, %swap3A_73] {strides = array<i32>} : memref<80x128xf32, #tpu.memory_space<vmem>>, vector<16xf32>,
      tpu.vector_store %arg10[%swap3A_72, %swap3A_73], %gather3A_71 {strides = array<i32>} : memref<80x128xf32, #tpu.memory_space<vmem>>, vector<16xf32>,
      %gather3A_75 = tpu.vector_load_idx %arg9[%get3A_70] : memref<10240xf32, #tpu.memory_space<vmem>>[vector<16xi32>], vector<16xf32>,
      %swap3A_76 = arith.index_cast %while3A_59 : i32 to index
      %swap3A_77 = arith.constant 16 : index
      %swap3A_78 = tpu.vector_load %arg11[%swap3A_76, %swap3A_77] {strides = array<i32>} : memref<80x128xf32, #tpu.memory_space<vmem>>, vector<16xf32>,
      tpu.vector_store %arg11[%swap3A_76, %swap3A_77], %gather3A_75 {strides = array<i32>} : memref<80x128xf32, #tpu.memory_space<vmem>>, vector<16xf32>,
      %get3A_79 = arith.index_cast %while3A_59 : i32 to index
      %get3A_80 = arith.constant 32 : index
      %get3A_81 = tpu.vector_load %arg6[%get3A_79, %get3A_80] {strides = array<i32>} : memref<80x128xi32, #tpu.memory_space<vmem>>, vector<16xi32>,
      %gather3A_82 = tpu.vector_load_idx %arg8[%get3A_81] : memref<10240xf32, #tpu.memory_space<vmem>>[vector<16xi32>], vector<16xf32>,
      %swap3A_83 = arith.index_cast %while3A_59 : i32 to index
      %swap3A_84 = arith.constant 32 : index
      %swap3A_85 = tpu.vector_load %arg10[%swap3A_83, %swap3A_84] {strides = array<i32>} : memref<80x128xf32, #tpu.memory_space<vmem>>, vector<16xf32>,
      tpu.vector_store %arg10[%swap3A_83, %swap3A_84], %gather3A_82 {strides = array<i32>} : memref<80x128xf32, #tpu.memory_space<vmem>>, vector<16xf32>,
      %gather3A_86 = tpu.vector_load_idx %arg9[%get3A_81] : memref<10240xf32, #tpu.memory_space<vmem>>[vector<16xi32>], vector<16xf32>,
      %swap3A_87 = arith.index_cast %while3A_59 : i32 to index
      %swap3A_88 = arith.constant 32 : index
      %swap3A_89 = tpu.vector_load %arg11[%swap3A_87, %swap3A_88] {strides = array<i32>} : memref<80x128xf32, #tpu.memory_space<vmem>>, vector<16xf32>,
      tpu.vector_store %arg11[%swap3A_87, %swap3A_88], %gather3A_86 {strides = array<i32>} : memref<80x128xf32, #tpu.memory_space<vmem>>, vector<16xf32>,
      %get3A_90 = arith.index_cast %while3A_59 : i32 to index
      %get3A_91 = arith.constant 48 : index
      %get3A_92 = tpu.vector_load %arg6[%get3A_90, %get3A_91] {strides = array<i32>} : memref<80x128xi32, #tpu.memory_space<vmem>>, vector<16xi32>,
      %gather3A_93 = tpu.vector_load_idx %arg8[%get3A_92] : memref<10240xf32, #tpu.memory_space<vmem>>[vector<16xi32>], vector<16xf32>,
      %swap3A_94 = arith.index_cast %while3A_59 : i32 to index
      %swap3A_95 = arith.constant 48 : index
      %swap3A_96 = tpu.vector_load %arg10[%swap3A_94, %swap3A_95] {strides = array<i32>} : memref<80x128xf32, #tpu.memory_space<vmem>>, vector<16xf32>,
      tpu.vector_store %arg10[%swap3A_94, %swap3A_95], %gather3A_93 {strides = array<i32>} : memref<80x128xf32, #tpu.memory_space<vmem>>, vector<16xf32>,
      %gather3A_97 = tpu.vector_load_idx %arg9[%get3A_92] : memref<10240xf32, #tpu.memory_space<vmem>>[vector<16xi32>], vector<16xf32>,
      %swap3A_98 = arith.index_cast %while3A_59 : i32 to index
      %swap3A_99 = arith.constant 48 : index
      %swap3A_100 = tpu.vector_load %arg11[%swap3A_98, %swap3A_99] {strides = array<i32>} : memref<80x128xf32, #tpu.memory_space<vmem>>, vector<16xf32>,
      tpu.vector_store %arg11[%swap3A_98, %swap3A_99], %gather3A_97 {strides = array<i32>} : memref<80x128xf32, #tpu.memory_space<vmem>>, vector<16xf32>,
      %get3A_101 = arith.index_cast %while3A_59 : i32 to index
      %get3A_102 = arith.constant 64 : index
      %get3A_103 = tpu.vector_load %arg6[%get3A_101, %get3A_102] {strides = array<i32>} : memref<80x128xi32, #tpu.memory_space<vmem>>, vector<16xi32>,
      %gather3A_104 = tpu.vector_load_idx %arg8[%get3A_103] : memref<10240xf32, #tpu.memory_space<vmem>>[vector<16xi32>], vector<16xf32>,
      %swap3A_105 = arith.index_cast %while3A_59 : i32 to index
      %swap3A_106 = arith.constant 64 : index
      %swap3A_107 = tpu.vector_load %arg10[%swap3A_105, %swap3A_106] {strides = array<i32>} : memref<80x128xf32, #tpu.memory_space<vmem>>, vector<16xf32>,
      tpu.vector_store %arg10[%swap3A_105, %swap3A_106], %gather3A_104 {strides = array<i32>} : memref<80x128xf32, #tpu.memory_space<vmem>>, vector<16xf32>,
      %gather3A_108 = tpu.vector_load_idx %arg9[%get3A_103] : memref<10240xf32, #tpu.memory_space<vmem>>[vector<16xi32>], vector<16xf32>,
      %swap3A_109 = arith.index_cast %while3A_59 : i32 to index
      %swap3A_110 = arith.constant 64 : index
      %swap3A_111 = tpu.vector_load %arg11[%swap3A_109, %swap3A_110] {strides = array<i32>} : memref<80x128xf32, #tpu.memory_space<vmem>>, vector<16xf32>,
      tpu.vector_store %arg11[%swap3A_109, %swap3A_110], %gather3A_108 {strides = array<i32>} : memref<80x128xf32, #tpu.memory_space<vmem>>, vector<16xf32>,
      %get3A_112 = arith.index_cast %while3A_59 : i32 to index
      %get3A_113 = arith.constant 80 : index
      %get3A_114 = tpu.vector_load %arg6[%get3A_112, %get3A_113] {strides = array<i32>} : memref<80x128xi32, #tpu.memory_space<vmem>>, vector<16xi32>,
      %gather3A_115 = tpu.vector_load_idx %arg8[%get3A_114] : memref<10240xf32, #tpu.memory_space<vmem>>[vector<16xi32>], vector<16xf32>,
      %swap3A_116 = arith.index_cast %while3A_59 : i32 to index
      %swap3A_117 = arith.constant 80 : index
      %swap3A_118 = tpu.vector_load %arg10[%swap3A_116, %swap3A_117] {strides = array<i32>} : memref<80x128xf32, #tpu.memory_space<vmem>>, vector<16xf32>,
      tpu.vector_store %arg10[%swap3A_116, %swap3A_117], %gather3A_115 {strides = array<i32>} : memref<80x128xf32, #tpu.memory_space<vmem>>, vector<16xf32>,
      %gather3A_119 = tpu.vector_load_idx %arg9[%get3A_114] : memref<10240xf32, #tpu.memory_space<vmem>>[vector<16xi32>], vector<16xf32>,
      %swap3A_120 = arith.index_cast %while3A_59 : i32 to index
      %swap3A_121 = arith.constant 80 : index
      %swap3A_122 = tpu.vector_load %arg11[%swap3A_120, %swap3A_121] {strides = array<i32>} : memref<80x128xf32, #tpu.memory_space<vmem>>, vector<16xf32>,
      tpu.vector_store %arg11[%swap3A_120, %swap3A_121], %gather3A_119 {strides = array<i32>} : memref<80x128xf32, #tpu.memory_space<vmem>>, vector<16xf32>,
      %get3A_123 = arith.index_cast %while3A_59 : i32 to index
      %get3A_124 = arith.constant 96 : index
      %get3A_125 = tpu.vector_load %arg6[%get3A_123, %get3A_124] {strides = array<i32>} : memref<80x128xi32, #tpu.memory_space<vmem>>, vector<16xi32>,
      %gather3A_126 = tpu.vector_load_idx %arg8[%get3A_125] : memref<10240xf32, #tpu.memory_space<vmem>>[vector<16xi32>], vector<16xf32>,
      %swap3A_127 = arith.index_cast %while3A_59 : i32 to index
      %swap3A_128 = arith.constant 96 : index
      %swap3A_129 = tpu.vector_load %arg10[%swap3A_127, %swap3A_128] {strides = array<i32>} : memref<80x128xf32, #tpu.memory_space<vmem>>, vector<16xf32>,
      tpu.vector_store %arg10[%swap3A_127, %swap3A_128], %gather3A_126 {strides = array<i32>} : memref<80x128xf32, #tpu.memory_space<vmem>>, vector<16xf32>,
      %gather3A_130 = tpu.vector_load_idx %arg9[%get3A_125] : memref<10240xf32, #tpu.memory_space<vmem>>[vector<16xi32>], vector<16xf32>,
      %swap3A_131 = arith.index_cast %while3A_59 : i32 to index
      %swap3A_132 = arith.constant 96 : index
      %swap3A_133 = tpu.vector_load %arg11[%swap3A_131, %swap3A_132] {strides = array<i32>} : memref<80x128xf32, #tpu.memory_space<vmem>>, vector<16xf32>,
      tpu.vector_store %arg11[%swap3A_131, %swap3A_132], %gather3A_130 {strides = array<i32>} : memref<80x128xf32, #tpu.memory_space<vmem>>, vector<16xf32>,
      %get3A_134 = arith.index_cast %while3A_59 : i32 to index
      %get3A_135 = arith.constant 112 : index
      %get3A_136 = tpu.vector_load %arg6[%get3A_134, %get3A_135] {strides = array<i32>} : memref<80x128xi32, #tpu.memory_space<vmem>>, vector<16xi32>,
      %gather3A_137 = tpu.vector_load_idx %arg8[%get3A_136] : memref<10240xf32, #tpu.memory_space<vmem>>[vector<16xi32>], vector<16xf32>,
      %swap3A_138 = arith.index_cast %while3A_59 : i32 to index
      %swap3A_139 = arith.constant 112 : index
      %swap3A_140 = tpu.vector_load %arg10[%swap3A_138, %swap3A_139] {strides = array<i32>} : memref<80x128xf32, #tpu.memory_space<vmem>>, vector<16xf32>,
      tpu.vector_store %arg10[%swap3A_138, %swap3A_139], %gather3A_137 {strides = array<i32>} : memref<80x128xf32, #tpu.memory_space<vmem>>, vector<16xf32>,
      %gather3A_141 = tpu.vector_load_idx %arg9[%get3A_136] : memref<10240xf32, #tpu.memory_space<vmem>>[vector<16xi32>], vector<16xf32>,
      %swap3A_142 = arith.index_cast %while3A_59 : i32 to index
      %swap3A_143 = arith.constant 112 : index
      %swap3A_144 = tpu.vector_load %arg11[%swap3A_142, %swap3A_143] {strides = array<i32>} : memref<80x128xf32, #tpu.memory_space<vmem>>, vector<16xf32>,
      tpu.vector_store %arg11[%swap3A_142, %swap3A_143], %gather3A_141 {strides = array<i32>} : memref<80x128xf32, #tpu.memory_space<vmem>>, vector<16xf32>,
      %dma_start3A = arith.constant 0 : i32
      %dma_start3A_145 = tpu.memref_slice %arg10[%while3A_59, %dma_start3A] : memref<80x128xf32, #tpu.memory_space<vmem>> -> memref<1x128xf32, #tpu.memory_space<vmem>>
      %dma_start3A_146 = tpu.memref_squeeze %dma_start3A_145 : memref<1x128xf32, #tpu.memory_space<vmem>> -> memref<128xf32, #tpu.memory_space<vmem>>
      %dma_start3A_147 = arith.constant 0 : i32
      %dma_start3A_148 = tpu.memref_slice %arg7[%while3A_59, %dma_start3A_147] : memref<80x128xi32, #tpu.memory_space<vmem>> -> memref<1x128xi32, #tpu.memory_space<vmem>>
      %dma_start3A_149 = tpu.memref_squeeze %dma_start3A_148 : memref<1x128xi32, #tpu.memory_space<vmem>> -> memref<128xi32, #tpu.memory_space<vmem>>
      %dma_start3A_150 = arith.constant 0 : i32
      %dma_start3A_151 = tpu.memref_slice %arg13[%dma_start3A_150] : memref<10240xf32, #tpu.memory_space<vmem_shared>> -> memref<10240xf32, #tpu.memory_space<vmem_shared>>
      tpu.enqueue_indirect_dma source(%dma_start3A_146 : memref<128xf32, #tpu.memory_space<vmem>>) target(%dma_start3A_151 : memref<10240xf32, #tpu.memory_space<vmem_shared>>) offsets(%dma_start3A_149 : memref<128xi32, #tpu.memory_space<vmem>>) semaphore(%arg15 : memref<!tpu.dma_semaphore, #tpu.memory_space<semaphore_mem>>) {add = true}
      %dma_start3A_152 = arith.constant 0 : i32
      %dma_start3A_153 = tpu.memref_slice %arg11[%while3A_59, %dma_start3A_152] : memref<80x128xf32, #tpu.memory_space<vmem>> -> memref<1x128xf32, #tpu.memory_space<vmem>>
      %dma_start3A_154 = tpu.memref_squeeze %dma_start3A_153 : memref<1x128xf32, #tpu.memory_space<vmem>> -> memref<128xf32, #tpu.memory_space<vmem>>
      %dma_start3A_155 = arith.constant 0 : i32
      %dma_start3A_156 = tpu.memref_slice %arg7[%while3A_59, %dma_start3A_155] : memref<80x128xi32, #tpu.memory_space<vmem>> -> memref<1x128xi32, #tpu.memory_space<vmem>>
      %dma_start3A_157 = tpu.memref_squeeze %dma_start3A_156 : memref<1x128xi32, #tpu.memory_space<vmem>> -> memref<128xi32, #tpu.memory_space<vmem>>
      %dma_start3A_158 = arith.constant 0 : i32
      %dma_start3A_159 = tpu.memref_slice %arg14[%dma_start3A_158] : memref<10240xf32, #tpu.memory_space<vmem_shared>> -> memref<10240xf32, #tpu.memory_space<vmem_shared>>
      tpu.enqueue_indirect_dma source(%dma_start3A_154 : memref<128xf32, #tpu.memory_space<vmem>>) target(%dma_start3A_159 : memref<10240xf32, #tpu.memory_space<vmem_shared>>) offsets(%dma_start3A_157 : memref<128xi32, #tpu.memory_space<vmem>>) semaphore(%arg15 : memref<!tpu.dma_semaphore, #tpu.memory_space<semaphore_mem>>) {add = true}
      %sub3A_160 = arith.constant 14 : i32
      %sub3A_161 = arith.subi %while3A_59, %sub3A_160 : i32
      %dma_wait3A = arith.constant 0 : i32
      %dma_wait3A_162 = tpu.memref_slice %arg10[%sub3A_161, %dma_wait3A] : memref<80x128xf32, #tpu.memory_space<vmem>> -> memref<1x128xf32, #tpu.memory_space<vmem>>
      %dma_wait3A_163 = tpu.memref_squeeze %dma_wait3A_162 : memref<1x128xf32, #tpu.memory_space<vmem>> -> memref<128xf32, #tpu.memory_space<vmem>>
      %dma_wait3A_164 = arith.constant 0 : i32
      %dma_wait3A_165 = tpu.memref_slice %arg7[%sub3A_161, %dma_wait3A_164] : memref<80x128xi32, #tpu.memory_space<vmem>> -> memref<1x128xi32, #tpu.memory_space<vmem>>
      %dma_wait3A_166 = tpu.memref_squeeze %dma_wait3A_165 : memref<1x128xi32, #tpu.memory_space<vmem>> -> memref<128xi32, #tpu.memory_space<vmem>>
      %dma_wait3A_167 = arith.constant 0 : i32
      %dma_wait3A_168 = tpu.memref_slice %arg13[%dma_wait3A_167] : memref<10240xf32, #tpu.memory_space<vmem_shared>> -> memref<10240xf32, #tpu.memory_space<vmem_shared>>
      tpu.wait_indirect_dma semaphore(%arg15 : memref<!tpu.dma_semaphore, #tpu.memory_space<semaphore_mem>>) src(%dma_wait3A_163 : memref<128xf32, #tpu.memory_space<vmem>>) dst(%dma_wait3A_168 : memref<10240xf32, #tpu.memory_space<vmem_shared>>)
      %dma_wait3A_169 = arith.constant 0 : i32
      %dma_wait3A_170 = tpu.memref_slice %arg11[%sub3A_161, %dma_wait3A_169] : memref<80x128xf32, #tpu.memory_space<vmem>> -> memref<1x128xf32, #tpu.memory_space<vmem>>
      %dma_wait3A_171 = tpu.memref_squeeze %dma_wait3A_170 : memref<1x128xf32, #tpu.memory_space<vmem>> -> memref<128xf32, #tpu.memory_space<vmem>>
      %dma_wait3A_172 = arith.constant 0 : i32
      %dma_wait3A_173 = tpu.memref_slice %arg7[%sub3A_161, %dma_wait3A_172] : memref<80x128xi32, #tpu.memory_space<vmem>> -> memref<1x128xi32, #tpu.memory_space<vmem>>
      %dma_wait3A_174 = tpu.memref_squeeze %dma_wait3A_173 : memref<1x128xi32, #tpu.memory_space<vmem>> -> memref<128xi32, #tpu.memory_space<vmem>>
      %dma_wait3A_175 = arith.constant 0 : i32
      %dma_wait3A_176 = tpu.memref_slice %arg14[%dma_wait3A_175] : memref<10240xf32, #tpu.memory_space<vmem_shared>> -> memref<10240xf32, #tpu.memory_space<vmem_shared>>
      tpu.wait_indirect_dma semaphore(%arg15 : memref<!tpu.dma_semaphore, #tpu.memory_space<semaphore_mem>>) src(%dma_wait3A_171 : memref<128xf32, #tpu.memory_space<vmem>>) dst(%dma_wait3A_176 : memref<10240xf32, #tpu.memory_space<vmem_shared>>)
    }
    %sub3A = arith.constant 14 : i32
    %sub3A_34 = arith.subi %select_n3A, %sub3A : i32
    %max3A = arith.constant 0 : i32
    %max3A_35 = arith.maxsi %sub3A_34, %max3A : i32
    %while3A_36 = arith.subi %select_n3A, %max3A_35 : i32
    %while3A_37 = arith.addi %max3A_35, %while3A_36 : i32
    %while3A_38 = arith.constant 1 : i32
    %while3A_39 = arith.divsi %while3A_36, %while3A_38 : i32
    %while3A_40 = arith.muli %while3A_39, %while3A_38 : i32
    %while3A_41 = arith.addi %max3A_35, %while3A_40 : i32
    %while3A_42 = arith.constant 1 : i32
    scf.for %while3A_59 = %max3A_35 to %while3A_41 step %while3A_42  : i32 {
      %dma_wait3A = arith.constant 0 : i32
      %dma_wait3A_60 = tpu.memref_slice %arg10[%while3A_59, %dma_wait3A] : memref<80x128xf32, #tpu.memory_space<vmem>> -> memref<1x128xf32, #tpu.memory_space<vmem>>
      %dma_wait3A_61 = tpu.memref_squeeze %dma_wait3A_60 : memref<1x128xf32, #tpu.memory_space<vmem>> -> memref<128xf32, #tpu.memory_space<vmem>>
      %dma_wait3A_62 = arith.constant 0 : i32
      %dma_wait3A_63 = tpu.memref_slice %arg7[%while3A_59, %dma_wait3A_62] : memref<80x128xi32, #tpu.memory_space<vmem>> -> memref<1x128xi32, #tpu.memory_space<vmem>>
      %dma_wait3A_64 = tpu.memref_squeeze %dma_wait3A_63 : memref<1x128xi32, #tpu.memory_space<vmem>> -> memref<128xi32, #tpu.memory_space<vmem>>
      %dma_wait3A_65 = arith.constant 0 : i32
      %dma_wait3A_66 = tpu.memref_slice %arg13[%dma_wait3A_65] : memref<10240xf32, #tpu.memory_space<vmem_shared>> -> memref<10240xf32, #tpu.memory_space<vmem_shared>>
      tpu.wait_indirect_dma semaphore(%arg15 : memref<!tpu.dma_semaphore, #tpu.memory_space<semaphore_mem>>) src(%dma_wait3A_61 : memref<128xf32, #tpu.memory_space<vmem>>) dst(%dma_wait3A_66 : memref<10240xf32, #tpu.memory_space<vmem_shared>>)
      %dma_wait3A_67 = arith.constant 0 : i32
      %dma_wait3A_68 = tpu.memref_slice %arg11[%while3A_59, %dma_wait3A_67] : memref<80x128xf32, #tpu.memory_space<vmem>> -> memref<1x128xf32, #tpu.memory_space<vmem>>
      %dma_wait3A_69 = tpu.memref_squeeze %dma_wait3A_68 : memref<1x128xf32, #tpu.memory_space<vmem>> -> memref<128xf32, #tpu.memory_space<vmem>>
      %dma_wait3A_70 = arith.constant 0 : i32
      %dma_wait3A_71 = tpu.memref_slice %arg7[%while3A_59, %dma_wait3A_70] : memref<80x128xi32, #tpu.memory_space<vmem>> -> memref<1x128xi32, #tpu.memory_space<vmem>>
      %dma_wait3A_72 = tpu.memref_squeeze %dma_wait3A_71 : memref<1x128xi32, #tpu.memory_space<vmem>> -> memref<128xi32, #tpu.memory_space<vmem>>
      %dma_wait3A_73 = arith.constant 0 : i32
      %dma_wait3A_74 = tpu.memref_slice %arg14[%dma_wait3A_73] : memref<10240xf32, #tpu.memory_space<vmem_shared>> -> memref<10240xf32, #tpu.memory_space<vmem_shared>>
      tpu.wait_indirect_dma semaphore(%arg15 : memref<!tpu.dma_semaphore, #tpu.memory_space<semaphore_mem>>) src(%dma_wait3A_69 : memref<128xf32, #tpu.memory_space<vmem>>) dst(%dma_wait3A_74 : memref<10240xf32, #tpu.memory_space<vmem_shared>>)
    }
    %while3A_43 = arith.constant 1 : i32
    scf.for %while3A_59 = %while3A_41 to %while3A_37 step %while3A_43  : i32 {
      %dma_wait3A = arith.constant 0 : i32
      %dma_wait3A_60 = tpu.memref_slice %arg10[%while3A_59, %dma_wait3A] : memref<80x128xf32, #tpu.memory_space<vmem>> -> memref<1x128xf32, #tpu.memory_space<vmem>>
      %dma_wait3A_61 = tpu.memref_squeeze %dma_wait3A_60 : memref<1x128xf32, #tpu.memory_space<vmem>> -> memref<128xf32, #tpu.memory_space<vmem>>
      %dma_wait3A_62 = arith.constant 0 : i32
      %dma_wait3A_63 = tpu.memref_slice %arg7[%while3A_59, %dma_wait3A_62] : memref<80x128xi32, #tpu.memory_space<vmem>> -> memref<1x128xi32, #tpu.memory_space<vmem>>
      %dma_wait3A_64 = tpu.memref_squeeze %dma_wait3A_63 : memref<1x128xi32, #tpu.memory_space<vmem>> -> memref<128xi32, #tpu.memory_space<vmem>>
      %dma_wait3A_65 = arith.constant 0 : i32
      %dma_wait3A_66 = tpu.memref_slice %arg13[%dma_wait3A_65] : memref<10240xf32, #tpu.memory_space<vmem_shared>> -> memref<10240xf32, #tpu.memory_space<vmem_shared>>
      tpu.wait_indirect_dma semaphore(%arg15 : memref<!tpu.dma_semaphore, #tpu.memory_space<semaphore_mem>>) src(%dma_wait3A_61 : memref<128xf32, #tpu.memory_space<vmem>>) dst(%dma_wait3A_66 : memref<10240xf32, #tpu.memory_space<vmem_shared>>)
      %dma_wait3A_67 = arith.constant 0 : i32
      %dma_wait3A_68 = tpu.memref_slice %arg11[%while3A_59, %dma_wait3A_67] : memref<80x128xf32, #tpu.memory_space<vmem>> -> memref<1x128xf32, #tpu.memory_space<vmem>>
      %dma_wait3A_69 = tpu.memref_squeeze %dma_wait3A_68 : memref<1x128xf32, #tpu.memory_space<vmem>> -> memref<128xf32, #tpu.memory_space<vmem>>
      %dma_wait3A_70 = arith.constant 0 : i32
      %dma_wait3A_71 = tpu.memref_slice %arg7[%while3A_59, %dma_wait3A_70] : memref<80x128xi32, #tpu.memory_space<vmem>> -> memref<1x128xi32, #tpu.memory_space<vmem>>
      %dma_wait3A_72 = tpu.memref_squeeze %dma_wait3A_71 : memref<1x128xi32, #tpu.memory_space<vmem>> -> memref<128xi32, #tpu.memory_space<vmem>>
      %dma_wait3A_73 = arith.constant 0 : i32
      %dma_wait3A_74 = tpu.memref_slice %arg14[%dma_wait3A_73] : memref<10240xf32, #tpu.memory_space<vmem_shared>> -> memref<10240xf32, #tpu.memory_space<vmem_shared>>
      tpu.wait_indirect_dma semaphore(%arg15 : memref<!tpu.dma_semaphore, #tpu.memory_space<semaphore_mem>>) src(%dma_wait3A_69 : memref<128xf32, #tpu.memory_space<vmem>>) dst(%dma_wait3A_74 : memref<10240xf32, #tpu.memory_space<vmem_shared>>)
    }
    %barrier3A_44 = arith.constant 0 : index
    tpu.barrier barrier_id(%barrier3A_44)
    %mul3A_45 = arith.constant 640 : i32
    %mul3A_46 = arith.muli %arg1, %mul3A_45 : i32
    %mul3A_47 = arith.constant 2 : i32
    %mul3A_48 = arith.muli %mul3A_47, %arg0 : i32
    %mul3A_49 = arith.constant 10240 : i32
    %mul3A_50 = arith.muli %mul3A_48, %mul3A_49 : i32
    %add3A_51 = arith.addi %mul3A_50, %mul3A_46 : i32
    "tpu.region"() ({
      %run_scoped3A = tpu.sem_alloc : memref<!tpu.dma_semaphore, #tpu.memory_space<semaphore_mem>>
      %dma_start3A = tpu.memref_slice %arg5[%add3A_51] : memref<40960xf32, #tpu.memory_space<hbm>> -> memref<640xf32, #tpu.memory_space<hbm>>
      %dma_start3A_59 = tpu.memref_slice %arg13[%mul3A_15] : memref<10240xf32, #tpu.memory_space<vmem_shared>> -> memref<640xf32, #tpu.memory_space<vmem_shared>>
      tpu.enqueue_dma source(%dma_start3A_59 : memref<640xf32, #tpu.memory_space<vmem_shared>>) target(%dma_start3A : memref<640xf32, #tpu.memory_space<hbm>>) target_semaphore(%run_scoped3A : memref<!tpu.dma_semaphore, #tpu.memory_space<semaphore_mem>>)
      %dma_wait3A = tpu.memref_slice %arg5[%add3A_51] : memref<40960xf32, #tpu.memory_space<hbm>> -> memref<640xf32, #tpu.memory_space<hbm>>
      %dma_wait3A_60 = tpu.memref_slice %arg13[%mul3A_15] : memref<10240xf32, #tpu.memory_space<vmem_shared>> -> memref<640xf32, #tpu.memory_space<vmem_shared>>
      tpu.wait_dma2 semaphore(%run_scoped3A : memref<!tpu.dma_semaphore, #tpu.memory_space<semaphore_mem>>) src(%dma_wait3A_60 : memref<640xf32, #tpu.memory_space<vmem_shared>>) dst(%dma_wait3A : memref<640xf32, #tpu.memory_space<hbm>>)
      tpu.yield
    }) : () -> ()
    %mul3A_52 = arith.constant 2 : i32
    %mul3A_53 = arith.muli %mul3A_52, %arg0 : i32
    %add3A_54 = arith.constant 1 : i32
    %add3A_55 = arith.addi %mul3A_53, %add3A_54 : i32
    %mul3A_56 = arith.constant 10240 : i32
    %mul3A_57 = arith.muli %add3A_55, %mul3A_56 : i32
    %add3A_58 = arith.addi %mul3A_57, %mul3A_46 : i32
    "tpu.region"() ({
      %run_scoped3A = tpu.sem_alloc : memref<!tpu.dma_semaphore, #tpu.memory_space<semaphore_mem>>
      %dma_start3A = tpu.memref_slice %arg5[%add3A_58] : memref<40960xf32, #tpu.memory_space<hbm>> -> memref<640xf32, #tpu.memory_space<hbm>>
      %dma_start3A_59 = tpu.memref_slice %arg14[%mul3A_15] : memref<10240xf32, #tpu.memory_space<vmem_shared>> -> memref<640xf32, #tpu.memory_space<vmem_shared>>
      tpu.enqueue_dma source(%dma_start3A_59 : memref<640xf32, #tpu.memory_space<vmem_shared>>) target(%dma_start3A : memref<640xf32, #tpu.memory_space<hbm>>) target_semaphore(%run_scoped3A : memref<!tpu.dma_semaphore, #tpu.memory_space<semaphore_mem>>)
      %dma_wait3A = tpu.memref_slice %arg5[%add3A_58] : memref<40960xf32, #tpu.memory_space<hbm>> -> memref<640xf32, #tpu.memory_space<hbm>>
      %dma_wait3A_60 = tpu.memref_slice %arg14[%mul3A_15] : memref<10240xf32, #tpu.memory_space<vmem_shared>> -> memref<640xf32, #tpu.memory_space<vmem_shared>>
      tpu.wait_dma2 semaphore(%run_scoped3A : memref<!tpu.dma_semaphore, #tpu.memory_space<semaphore_mem>>) src(%dma_wait3A_60 : memref<640xf32, #tpu.memory_space<vmem_shared>>) dst(%dma_wait3A : memref<640xf32, #tpu.memory_space<hbm>>)
      tpu.yield
    }) : () -> ()
    return
  }
}

#map = affine_map<(d0, d1) -> (0, 0)>
#map1 = affine_map<(d0, d1) -> (0)>
module attributes {stable_mosaic.version = 14 : i64} {
  func.func @_deg_body(%arg0: i32, %arg1: i32, %arg2: memref<2500x128xi32, #tpu.memory_space<hbm>>, %arg3: memref<2500x128xi32, #tpu.memory_space<hbm>>, %arg4: memref<40960xf32, #tpu.memory_space<hbm>>, %arg5: memref<80x128xi32, #tpu.memory_space<vmem>>, %arg6: memref<80x128xi32, #tpu.memory_space<vmem>>, %arg7: memref<128xf32, #tpu.memory_space<vmem>>, %arg8: memref<640xf32, #tpu.memory_space<vmem>>, %arg9: memref<10240xf32, #tpu.memory_space<vmem_shared>>, %arg10: memref<10240xf32, #tpu.memory_space<vmem_shared>>, %arg11: memref<!tpu.dma_semaphore, #tpu.memory_space<semaphore_mem>>) attributes {dimension_semantics = [#tpu.dimension_semantics<core_parallel>, #tpu.dimension_semantics<subcore_parallel>], iteration_bounds = array<i64: 2, 16>, scalar_prefetch = 0 : i64, scratch_operands = 7 : i64, tpu.core_type = #tpu.core_type<sc_vector_subcore>, window_params = [{transform_indices = #map}, {transform_indices = #map}, {transform_indices = #map1}]} {
    %mul3A = arith.constant 2 : i32
    %mul3A_0 = arith.muli %arg1, %mul3A : i32
    %add3A = arith.addi %mul3A_0, %arg0 : i32
    %eq3A = arith.constant 31 : i32
    %eq3A_1 = arith.cmpi eq, %add3A, %eq3A : i32
    %jit3A = arith.constant 20 : i32
    %jit3A_2 = arith.constant 80 : i32
    %select_n3A = arith.select %eq3A_1, %jit3A, %jit3A_2 : i32
    %ne3A = arith.constant 31 : i32
    %ne3A_3 = arith.cmpi ne, %add3A, %ne3A : i32
    %convert_element_type3A = arith.extui %ne3A_3 : i1 to i32
    %cond3A = arith.constant 0 : i32
    %cond3A_4 = arith.cmpi ne, %convert_element_type3A, %cond3A : i32
    scf.if %cond3A_4 {
      %mul3A_89 = arith.constant 80 : i32
      %mul3A_90 = arith.muli %add3A, %mul3A_89 : i32
      "tpu.region"() ({
        %run_scoped3A = tpu.sem_alloc : memref<!tpu.dma_semaphore, #tpu.memory_space<semaphore_mem>>
        %dma_start3A = arith.constant 0 : i32
        %dma_start3A_93 = tpu.memref_slice %arg2[%mul3A_90, %dma_start3A] : memref<2500x128xi32, #tpu.memory_space<hbm>> -> memref<80x128xi32, #tpu.memory_space<hbm>>
        %dma_start3A_94 = arith.constant 0 : i32
        %dma_start3A_95 = tpu.memref_slice %arg2[%mul3A_90, %dma_start3A_94] : memref<2500x128xi32, #tpu.memory_space<hbm>> -> memref<80x128xi32, #tpu.memory_space<hbm>>
        tpu.enqueue_dma source(%dma_start3A_95 : memref<80x128xi32, #tpu.memory_space<hbm>>) target(%arg5 : memref<80x128xi32, #tpu.memory_space<vmem>>) target_semaphore(%run_scoped3A : memref<!tpu.dma_semaphore, #tpu.memory_space<semaphore_mem>>)
        %dma_wait3A = arith.constant 0 : i32
        %dma_wait3A_96 = tpu.memref_slice %arg2[%mul3A_90, %dma_wait3A] : memref<2500x128xi32, #tpu.memory_space<hbm>> -> memref<80x128xi32, #tpu.memory_space<hbm>>
        %dma_wait3A_97 = arith.constant 0 : i32
        %dma_wait3A_98 = tpu.memref_slice %arg2[%mul3A_90, %dma_wait3A_97] : memref<2500x128xi32, #tpu.memory_space<hbm>> -> memref<80x128xi32, #tpu.memory_space<hbm>>
        tpu.wait_dma2 semaphore(%run_scoped3A : memref<!tpu.dma_semaphore, #tpu.memory_space<semaphore_mem>>) src(%dma_wait3A_98 : memref<80x128xi32, #tpu.memory_space<hbm>>) dst(%arg5 : memref<80x128xi32, #tpu.memory_space<vmem>>)
        tpu.yield
      }) : () -> ()
      %mul3A_91 = arith.constant 80 : i32
      %mul3A_92 = arith.muli %add3A, %mul3A_91 : i32
      "tpu.region"() ({
        %run_scoped3A = tpu.sem_alloc : memref<!tpu.dma_semaphore, #tpu.memory_space<semaphore_mem>>
        %dma_start3A = arith.constant 0 : i32
        %dma_start3A_93 = tpu.memref_slice %arg3[%mul3A_92, %dma_start3A] : memref<2500x128xi32, #tpu.memory_space<hbm>> -> memref<80x128xi32, #tpu.memory_space<hbm>>
        %dma_start3A_94 = arith.constant 0 : i32
        %dma_start3A_95 = tpu.memref_slice %arg3[%mul3A_92, %dma_start3A_94] : memref<2500x128xi32, #tpu.memory_space<hbm>> -> memref<80x128xi32, #tpu.memory_space<hbm>>
        tpu.enqueue_dma source(%dma_start3A_95 : memref<80x128xi32, #tpu.memory_space<hbm>>) target(%arg6 : memref<80x128xi32, #tpu.memory_space<vmem>>) target_semaphore(%run_scoped3A : memref<!tpu.dma_semaphore, #tpu.memory_space<semaphore_mem>>)
        %dma_wait3A = arith.constant 0 : i32
        %dma_wait3A_96 = tpu.memref_slice %arg3[%mul3A_92, %dma_wait3A] : memref<2500x128xi32, #tpu.memory_space<hbm>> -> memref<80x128xi32, #tpu.memory_space<hbm>>
        %dma_wait3A_97 = arith.constant 0 : i32
        %dma_wait3A_98 = tpu.memref_slice %arg3[%mul3A_92, %dma_wait3A_97] : memref<2500x128xi32, #tpu.memory_space<hbm>> -> memref<80x128xi32, #tpu.memory_space<hbm>>
        tpu.wait_dma2 semaphore(%run_scoped3A : memref<!tpu.dma_semaphore, #tpu.memory_space<semaphore_mem>>) src(%dma_wait3A_98 : memref<80x128xi32, #tpu.memory_space<hbm>>) dst(%arg6 : memref<80x128xi32, #tpu.memory_space<vmem>>)
        tpu.yield
      }) : () -> ()
    } else {
    }
    %eq3A_5 = arith.constant 31 : i32
    %eq3A_6 = arith.cmpi eq, %add3A, %eq3A_5 : i32
    %convert_element_type3A_7 = arith.extui %eq3A_6 : i1 to i32
    %cond3A_8 = arith.constant 0 : i32
    %cond3A_9 = arith.cmpi ne, %convert_element_type3A_7, %cond3A_8 : i32
    scf.if %cond3A_9 {
      "tpu.region"() ({
        %run_scoped3A = tpu.sem_alloc : memref<!tpu.dma_semaphore, #tpu.memory_space<semaphore_mem>>
        %dma_start3A = arith.constant 0 : i32
        %dma_start3A_89 = arith.constant 0 : i32
        %dma_start3A_90 = tpu.memref_slice %arg5[%dma_start3A, %dma_start3A_89] : memref<80x128xi32, #tpu.memory_space<vmem>> -> memref<20x128xi32, #tpu.memory_space<vmem>>
        %dma_start3A_91 = arith.constant 2480 : i32
        %dma_start3A_92 = arith.constant 0 : i32
        %dma_start3A_93 = tpu.memref_slice %arg2[%dma_start3A_91, %dma_start3A_92] : memref<2500x128xi32, #tpu.memory_space<hbm>> -> memref<20x128xi32, #tpu.memory_space<hbm>>
        %dma_start3A_94 = arith.constant 0 : i32
        %dma_start3A_95 = arith.constant 0 : i32
        %dma_start3A_96 = tpu.memref_slice %arg5[%dma_start3A_94, %dma_start3A_95] : memref<80x128xi32, #tpu.memory_space<vmem>> -> memref<20x128xi32, #tpu.memory_space<vmem>>
        %dma_start3A_97 = arith.constant 2480 : i32
        %dma_start3A_98 = arith.constant 0 : i32
        %dma_start3A_99 = tpu.memref_slice %arg2[%dma_start3A_97, %dma_start3A_98] : memref<2500x128xi32, #tpu.memory_space<hbm>> -> memref<20x128xi32, #tpu.memory_space<hbm>>
        tpu.enqueue_dma source(%dma_start3A_99 : memref<20x128xi32, #tpu.memory_space<hbm>>) target(%dma_start3A_96 : memref<20x128xi32, #tpu.memory_space<vmem>>) target_semaphore(%run_scoped3A : memref<!tpu.dma_semaphore, #tpu.memory_space<semaphore_mem>>)
        %dma_wait3A = arith.constant 0 : i32
        %dma_wait3A_100 = arith.constant 0 : i32
        %dma_wait3A_101 = tpu.memref_slice %arg5[%dma_wait3A, %dma_wait3A_100] : memref<80x128xi32, #tpu.memory_space<vmem>> -> memref<20x128xi32, #tpu.memory_space<vmem>>
        %dma_wait3A_102 = arith.constant 2480 : i32
        %dma_wait3A_103 = arith.constant 0 : i32
        %dma_wait3A_104 = tpu.memref_slice %arg2[%dma_wait3A_102, %dma_wait3A_103] : memref<2500x128xi32, #tpu.memory_space<hbm>> -> memref<20x128xi32, #tpu.memory_space<hbm>>
        %dma_wait3A_105 = arith.constant 0 : i32
        %dma_wait3A_106 = arith.constant 0 : i32
        %dma_wait3A_107 = tpu.memref_slice %arg5[%dma_wait3A_105, %dma_wait3A_106] : memref<80x128xi32, #tpu.memory_space<vmem>> -> memref<20x128xi32, #tpu.memory_space<vmem>>
        %dma_wait3A_108 = arith.constant 2480 : i32
        %dma_wait3A_109 = arith.constant 0 : i32
        %dma_wait3A_110 = tpu.memref_slice %arg2[%dma_wait3A_108, %dma_wait3A_109] : memref<2500x128xi32, #tpu.memory_space<hbm>> -> memref<20x128xi32, #tpu.memory_space<hbm>>
        tpu.wait_dma2 semaphore(%run_scoped3A : memref<!tpu.dma_semaphore, #tpu.memory_space<semaphore_mem>>) src(%dma_wait3A_110 : memref<20x128xi32, #tpu.memory_space<hbm>>) dst(%dma_wait3A_107 : memref<20x128xi32, #tpu.memory_space<vmem>>)
        tpu.yield
      }) : () -> ()
      "tpu.region"() ({
        %run_scoped3A = tpu.sem_alloc : memref<!tpu.dma_semaphore, #tpu.memory_space<semaphore_mem>>
        %dma_start3A = arith.constant 0 : i32
        %dma_start3A_89 = arith.constant 0 : i32
        %dma_start3A_90 = tpu.memref_slice %arg6[%dma_start3A, %dma_start3A_89] : memref<80x128xi32, #tpu.memory_space<vmem>> -> memref<20x128xi32, #tpu.memory_space<vmem>>
        %dma_start3A_91 = arith.constant 2480 : i32
        %dma_start3A_92 = arith.constant 0 : i32
        %dma_start3A_93 = tpu.memref_slice %arg3[%dma_start3A_91, %dma_start3A_92] : memref<2500x128xi32, #tpu.memory_space<hbm>> -> memref<20x128xi32, #tpu.memory_space<hbm>>
        %dma_start3A_94 = arith.constant 0 : i32
        %dma_start3A_95 = arith.constant 0 : i32
        %dma_start3A_96 = tpu.memref_slice %arg6[%dma_start3A_94, %dma_start3A_95] : memref<80x128xi32, #tpu.memory_space<vmem>> -> memref<20x128xi32, #tpu.memory_space<vmem>>
        %dma_start3A_97 = arith.constant 2480 : i32
        %dma_start3A_98 = arith.constant 0 : i32
        %dma_start3A_99 = tpu.memref_slice %arg3[%dma_start3A_97, %dma_start3A_98] : memref<2500x128xi32, #tpu.memory_space<hbm>> -> memref<20x128xi32, #tpu.memory_space<hbm>>
        tpu.enqueue_dma source(%dma_start3A_99 : memref<20x128xi32, #tpu.memory_space<hbm>>) target(%dma_start3A_96 : memref<20x128xi32, #tpu.memory_space<vmem>>) target_semaphore(%run_scoped3A : memref<!tpu.dma_semaphore, #tpu.memory_space<semaphore_mem>>)
        %dma_wait3A = arith.constant 0 : i32
        %dma_wait3A_100 = arith.constant 0 : i32
        %dma_wait3A_101 = tpu.memref_slice %arg6[%dma_wait3A, %dma_wait3A_100] : memref<80x128xi32, #tpu.memory_space<vmem>> -> memref<20x128xi32, #tpu.memory_space<vmem>>
        %dma_wait3A_102 = arith.constant 2480 : i32
        %dma_wait3A_103 = arith.constant 0 : i32
        %dma_wait3A_104 = tpu.memref_slice %arg3[%dma_wait3A_102, %dma_wait3A_103] : memref<2500x128xi32, #tpu.memory_space<hbm>> -> memref<20x128xi32, #tpu.memory_space<hbm>>
        %dma_wait3A_105 = arith.constant 0 : i32
        %dma_wait3A_106 = arith.constant 0 : i32
        %dma_wait3A_107 = tpu.memref_slice %arg6[%dma_wait3A_105, %dma_wait3A_106] : memref<80x128xi32, #tpu.memory_space<vmem>> -> memref<20x128xi32, #tpu.memory_space<vmem>>
        %dma_wait3A_108 = arith.constant 2480 : i32
        %dma_wait3A_109 = arith.constant 0 : i32
        %dma_wait3A_110 = tpu.memref_slice %arg3[%dma_wait3A_108, %dma_wait3A_109] : memref<2500x128xi32, #tpu.memory_space<hbm>> -> memref<20x128xi32, #tpu.memory_space<hbm>>
        tpu.wait_dma2 semaphore(%run_scoped3A : memref<!tpu.dma_semaphore, #tpu.memory_space<semaphore_mem>>) src(%dma_wait3A_110 : memref<20x128xi32, #tpu.memory_space<hbm>>) dst(%dma_wait3A_107 : memref<20x128xi32, #tpu.memory_space<vmem>>)
        tpu.yield
      }) : () -> ()
    } else {
    }
    %broadcast_in_dim3A = arith.constant 1.000000e+00 : f32
    %broadcast_in_dim3A_10 = vector.broadcast %broadcast_in_dim3A : f32 to vector<16xf32>
    %swap3A = arith.constant 0 : index
    %swap3A_11 = tpu.vector_load %arg7[%swap3A] {strides = array<i32>} : memref<128xf32, #tpu.memory_space<vmem>>, vector<16xf32>,
    tpu.vector_store %arg7[%swap3A], %broadcast_in_dim3A_10 {strides = array<i32>} : memref<128xf32, #tpu.memory_space<vmem>>, vector<16xf32>,
    %broadcast_in_dim3A_12 = arith.constant 1.000000e+00 : f32
    %broadcast_in_dim3A_13 = vector.broadcast %broadcast_in_dim3A_12 : f32 to vector<16xf32>
    %swap3A_14 = arith.constant 16 : index
    %swap3A_15 = tpu.vector_load %arg7[%swap3A_14] {strides = array<i32>} : memref<128xf32, #tpu.memory_space<vmem>>, vector<16xf32>,
    tpu.vector_store %arg7[%swap3A_14], %broadcast_in_dim3A_13 {strides = array<i32>} : memref<128xf32, #tpu.memory_space<vmem>>, vector<16xf32>,
    %broadcast_in_dim3A_16 = arith.constant 1.000000e+00 : f32
    %broadcast_in_dim3A_17 = vector.broadcast %broadcast_in_dim3A_16 : f32 to vector<16xf32>
    %swap3A_18 = arith.constant 32 : index
    %swap3A_19 = tpu.vector_load %arg7[%swap3A_18] {strides = array<i32>} : memref<128xf32, #tpu.memory_space<vmem>>, vector<16xf32>,
    tpu.vector_store %arg7[%swap3A_18], %broadcast_in_dim3A_17 {strides = array<i32>} : memref<128xf32, #tpu.memory_space<vmem>>, vector<16xf32>,
    %broadcast_in_dim3A_20 = arith.constant 1.000000e+00 : f32
    %broadcast_in_dim3A_21 = vector.broadcast %broadcast_in_dim3A_20 : f32 to vector<16xf32>
    %swap3A_22 = arith.constant 48 : index
    %swap3A_23 = tpu.vector_load %arg7[%swap3A_22] {strides = array<i32>} : memref<128xf32, #tpu.memory_space<vmem>>, vector<16xf32>,
    tpu.vector_store %arg7[%swap3A_22], %broadcast_in_dim3A_21 {strides = array<i32>} : memref<128xf32, #tpu.memory_space<vmem>>, vector<16xf32>,
    %broadcast_in_dim3A_24 = arith.constant 1.000000e+00 : f32
    %broadcast_in_dim3A_25 = vector.broadcast %broadcast_in_dim3A_24 : f32 to vector<16xf32>
    %swap3A_26 = arith.constant 64 : index
    %swap3A_27 = tpu.vector_load %arg7[%swap3A_26] {strides = array<i32>} : memref<128xf32, #tpu.memory_space<vmem>>, vector<16xf32>,
    tpu.vector_store %arg7[%swap3A_26], %broadcast_in_dim3A_25 {strides = array<i32>} : memref<128xf32, #tpu.memory_space<vmem>>, vector<16xf32>,
    %broadcast_in_dim3A_28 = arith.constant 1.000000e+00 : f32
    %broadcast_in_dim3A_29 = vector.broadcast %broadcast_in_dim3A_28 : f32 to vector<16xf32>
    %swap3A_30 = arith.constant 80 : index
    %swap3A_31 = tpu.vector_load %arg7[%swap3A_30] {strides = array<i32>} : memref<128xf32, #tpu.memory_space<vmem>>, vector<16xf32>,
    tpu.vector_store %arg7[%swap3A_30], %broadcast_in_dim3A_29 {strides = array<i32>} : memref<128xf32, #tpu.memory_space<vmem>>, vector<16xf32>,
    %broadcast_in_dim3A_32 = arith.constant 1.000000e+00 : f32
    %broadcast_in_dim3A_33 = vector.broadcast %broadcast_in_dim3A_32 : f32 to vector<16xf32>
    %swap3A_34 = arith.constant 96 : index
    %swap3A_35 = tpu.vector_load %arg7[%swap3A_34] {strides = array<i32>} : memref<128xf32, #tpu.memory_space<vmem>>, vector<16xf32>,
    tpu.vector_store %arg7[%swap3A_34], %broadcast_in_dim3A_33 {strides = array<i32>} : memref<128xf32, #tpu.memory_space<vmem>>, vector<16xf32>,
    %broadcast_in_dim3A_36 = arith.constant 1.000000e+00 : f32
    %broadcast_in_dim3A_37 = vector.broadcast %broadcast_in_dim3A_36 : f32 to vector<16xf32>
    %swap3A_38 = arith.constant 112 : index
    %swap3A_39 = tpu.vector_load %arg7[%swap3A_38] {strides = array<i32>} : memref<128xf32, #tpu.memory_space<vmem>>, vector<16xf32>,
    tpu.vector_store %arg7[%swap3A_38], %broadcast_in_dim3A_37 {strides = array<i32>} : memref<128xf32, #tpu.memory_space<vmem>>, vector<16xf32>,
    %scan3A = arith.constant 0 : i32
    %scan3A_40 = arith.constant 40 : i32
    %scan3A_41 = arith.addi %scan3A, %scan3A_40 : i32
    %scan3A_42 = arith.constant 1 : i32
    scf.for %scan3A_89 = %scan3A to %scan3A_41 step %scan3A_42  : i32 {
      %broadcast_in_dim3A_90 = arith.constant 0.000000e+00 : f32
      %broadcast_in_dim3A_91 = vector.broadcast %broadcast_in_dim3A_90 : f32 to vector<16xf32>
      %mul3A_92 = arith.constant 16 : i32
      %mul3A_93 = arith.muli %scan3A_89, %mul3A_92 : i32
      %swap3A_94 = arith.index_cast %mul3A_93 : i32 to index
      %swap3A_95 = tpu.vector_load %arg8[%swap3A_94] {strides = array<i32>} : memref<640xf32, #tpu.memory_space<vmem>>, vector<16xf32>,
      tpu.vector_store %arg8[%swap3A_94], %broadcast_in_dim3A_91 {strides = array<i32>} : memref<640xf32, #tpu.memory_space<vmem>>, vector<16xf32>,
    }
    %scan3A_43 = arith.constant 40 : i32
    %mul3A_44 = arith.constant 640 : i32
    %mul3A_45 = arith.muli %arg1, %mul3A_44 : i32
    "tpu.region"() ({
      %run_scoped3A = tpu.sem_alloc : memref<!tpu.dma_semaphore, #tpu.memory_space<semaphore_mem>>
      %dma_start3A = tpu.memref_slice %arg9[%mul3A_45] : memref<10240xf32, #tpu.memory_space<vmem_shared>> -> memref<640xf32, #tpu.memory_space<vmem_shared>>
      %dma_start3A_89 = tpu.memref_slice %arg9[%mul3A_45] : memref<10240xf32, #tpu.memory_space<vmem_shared>> -> memref<640xf32, #tpu.memory_space<vmem_shared>>
      tpu.enqueue_dma source(%arg8 : memref<640xf32, #tpu.memory_space<vmem>>) target(%dma_start3A_89 : memref<640xf32, #tpu.memory_space<vmem_shared>>) target_semaphore(%run_scoped3A : memref<!tpu.dma_semaphore, #tpu.memory_space<semaphore_mem>>)
      %dma_wait3A = tpu.memref_slice %arg9[%mul3A_45] : memref<10240xf32, #tpu.memory_space<vmem_shared>> -> memref<640xf32, #tpu.memory_space<vmem_shared>>
      %dma_wait3A_90 = tpu.memref_slice %arg9[%mul3A_45] : memref<10240xf32, #tpu.memory_space<vmem_shared>> -> memref<640xf32, #tpu.memory_space<vmem_shared>>
      tpu.wait_dma2 semaphore(%run_scoped3A : memref<!tpu.dma_semaphore, #tpu.memory_space<semaphore_mem>>) src(%arg8 : memref<640xf32, #tpu.memory_space<vmem>>) dst(%dma_wait3A_90 : memref<640xf32, #tpu.memory_space<vmem_shared>>)
      tpu.yield
    }) : () -> ()
    "tpu.region"() ({
      %run_scoped3A = tpu.sem_alloc : memref<!tpu.dma_semaphore, #tpu.memory_space<semaphore_mem>>
      %dma_start3A = tpu.memref_slice %arg10[%mul3A_45] : memref<10240xf32, #tpu.memory_space<vmem_shared>> -> memref<640xf32, #tpu.memory_space<vmem_shared>>
      %dma_start3A_89 = tpu.memref_slice %arg10[%mul3A_45] : memref<10240xf32, #tpu.memory_space<vmem_shared>> -> memref<640xf32, #tpu.memory_space<vmem_shared>>
      tpu.enqueue_dma source(%arg8 : memref<640xf32, #tpu.memory_space<vmem>>) target(%dma_start3A_89 : memref<640xf32, #tpu.memory_space<vmem_shared>>) target_semaphore(%run_scoped3A : memref<!tpu.dma_semaphore, #tpu.memory_space<semaphore_mem>>)
      %dma_wait3A = tpu.memref_slice %arg10[%mul3A_45] : memref<10240xf32, #tpu.memory_space<vmem_shared>> -> memref<640xf32, #tpu.memory_space<vmem_shared>>
      %dma_wait3A_90 = tpu.memref_slice %arg10[%mul3A_45] : memref<10240xf32, #tpu.memory_space<vmem_shared>> -> memref<640xf32, #tpu.memory_space<vmem_shared>>
      tpu.wait_dma2 semaphore(%run_scoped3A : memref<!tpu.dma_semaphore, #tpu.memory_space<semaphore_mem>>) src(%arg8 : memref<640xf32, #tpu.memory_space<vmem>>) dst(%dma_wait3A_90 : memref<640xf32, #tpu.memory_space<vmem_shared>>)
      tpu.yield
    }) : () -> ()
    %barrier3A = arith.constant 0 : index
    tpu.barrier barrier_id(%barrier3A)
    %min3A = arith.constant 14 : i32
    %min3A_46 = arith.minsi %min3A, %select_n3A : i32
    %while3A = arith.constant 0 : i32
    %while3A_47 = arith.subi %min3A_46, %while3A : i32
    %while3A_48 = arith.addi %while3A, %while3A_47 : i32
    %while3A_49 = arith.constant 1 : i32
    %while3A_50 = arith.divsi %while3A_47, %while3A_49 : i32
    %while3A_51 = arith.muli %while3A_50, %while3A_49 : i32
    %while3A_52 = arith.addi %while3A, %while3A_51 : i32
    %while3A_53 = arith.constant 1 : i32
    scf.for %while3A_89 = %while3A to %while3A_52 step %while3A_53  : i32 {
      %dma_start3A = arith.constant 0 : i32
      %dma_start3A_90 = tpu.memref_slice %arg5[%while3A_89, %dma_start3A] : memref<80x128xi32, #tpu.memory_space<vmem>> -> memref<1x128xi32, #tpu.memory_space<vmem>>
      %dma_start3A_91 = tpu.memref_squeeze %dma_start3A_90 : memref<1x128xi32, #tpu.memory_space<vmem>> -> memref<128xi32, #tpu.memory_space<vmem>>
      %dma_start3A_92 = arith.constant 0 : i32
      %dma_start3A_93 = tpu.memref_slice %arg9[%dma_start3A_92] : memref<10240xf32, #tpu.memory_space<vmem_shared>> -> memref<10240xf32, #tpu.memory_space<vmem_shared>>
      tpu.enqueue_indirect_dma source(%arg7 : memref<128xf32, #tpu.memory_space<vmem>>) target(%dma_start3A_93 : memref<10240xf32, #tpu.memory_space<vmem_shared>>) offsets(%dma_start3A_91 : memref<128xi32, #tpu.memory_space<vmem>>) semaphore(%arg11 : memref<!tpu.dma_semaphore, #tpu.memory_space<semaphore_mem>>) {add = true}
      %dma_start3A_94 = arith.constant 0 : i32
      %dma_start3A_95 = tpu.memref_slice %arg6[%while3A_89, %dma_start3A_94] : memref<80x128xi32, #tpu.memory_space<vmem>> -> memref<1x128xi32, #tpu.memory_space<vmem>>
      %dma_start3A_96 = tpu.memref_squeeze %dma_start3A_95 : memref<1x128xi32, #tpu.memory_space<vmem>> -> memref<128xi32, #tpu.memory_space<vmem>>
      %dma_start3A_97 = arith.constant 0 : i32
      %dma_start3A_98 = tpu.memref_slice %arg10[%dma_start3A_97] : memref<10240xf32, #tpu.memory_space<vmem_shared>> -> memref<10240xf32, #tpu.memory_space<vmem_shared>>
      tpu.enqueue_indirect_dma source(%arg7 : memref<128xf32, #tpu.memory_space<vmem>>) target(%dma_start3A_98 : memref<10240xf32, #tpu.memory_space<vmem_shared>>) offsets(%dma_start3A_96 : memref<128xi32, #tpu.memory_space<vmem>>) semaphore(%arg11 : memref<!tpu.dma_semaphore, #tpu.memory_space<semaphore_mem>>) {add = true}
    }
    %while3A_54 = arith.constant 1 : i32
    scf.for %while3A_89 = %while3A_52 to %while3A_48 step %while3A_54  : i32 {
      %dma_start3A = arith.constant 0 : i32
      %dma_start3A_90 = tpu.memref_slice %arg5[%while3A_89, %dma_start3A] : memref<80x128xi32, #tpu.memory_space<vmem>> -> memref<1x128xi32, #tpu.memory_space<vmem>>
      %dma_start3A_91 = tpu.memref_squeeze %dma_start3A_90 : memref<1x128xi32, #tpu.memory_space<vmem>> -> memref<128xi32, #tpu.memory_space<vmem>>
      %dma_start3A_92 = arith.constant 0 : i32
      %dma_start3A_93 = tpu.memref_slice %arg9[%dma_start3A_92] : memref<10240xf32, #tpu.memory_space<vmem_shared>> -> memref<10240xf32, #tpu.memory_space<vmem_shared>>
      tpu.enqueue_indirect_dma source(%arg7 : memref<128xf32, #tpu.memory_space<vmem>>) target(%dma_start3A_93 : memref<10240xf32, #tpu.memory_space<vmem_shared>>) offsets(%dma_start3A_91 : memref<128xi32, #tpu.memory_space<vmem>>) semaphore(%arg11 : memref<!tpu.dma_semaphore, #tpu.memory_space<semaphore_mem>>) {add = true}
      %dma_start3A_94 = arith.constant 0 : i32
      %dma_start3A_95 = tpu.memref_slice %arg6[%while3A_89, %dma_start3A_94] : memref<80x128xi32, #tpu.memory_space<vmem>> -> memref<1x128xi32, #tpu.memory_space<vmem>>
      %dma_start3A_96 = tpu.memref_squeeze %dma_start3A_95 : memref<1x128xi32, #tpu.memory_space<vmem>> -> memref<128xi32, #tpu.memory_space<vmem>>
      %dma_start3A_97 = arith.constant 0 : i32
      %dma_start3A_98 = tpu.memref_slice %arg10[%dma_start3A_97] : memref<10240xf32, #tpu.memory_space<vmem_shared>> -> memref<10240xf32, #tpu.memory_space<vmem_shared>>
      tpu.enqueue_indirect_dma source(%arg7 : memref<128xf32, #tpu.memory_space<vmem>>) target(%dma_start3A_98 : memref<10240xf32, #tpu.memory_space<vmem_shared>>) offsets(%dma_start3A_96 : memref<128xi32, #tpu.memory_space<vmem>>) semaphore(%arg11 : memref<!tpu.dma_semaphore, #tpu.memory_space<semaphore_mem>>) {add = true}
    }
    %while3A_55 = arith.constant 14 : i32
    %while3A_56 = arith.subi %select_n3A, %while3A_55 : i32
    %while3A_57 = arith.addi %while3A_55, %while3A_56 : i32
    %while3A_58 = arith.constant 1 : i32
    %while3A_59 = arith.divsi %while3A_56, %while3A_58 : i32
    %while3A_60 = arith.muli %while3A_59, %while3A_58 : i32
    %while3A_61 = arith.addi %while3A_55, %while3A_60 : i32
    %while3A_62 = arith.constant 1 : i32
    scf.for %while3A_89 = %while3A_55 to %while3A_61 step %while3A_62  : i32 {
      %dma_start3A = arith.constant 0 : i32
      %dma_start3A_90 = tpu.memref_slice %arg5[%while3A_89, %dma_start3A] : memref<80x128xi32, #tpu.memory_space<vmem>> -> memref<1x128xi32, #tpu.memory_space<vmem>>
      %dma_start3A_91 = tpu.memref_squeeze %dma_start3A_90 : memref<1x128xi32, #tpu.memory_space<vmem>> -> memref<128xi32, #tpu.memory_space<vmem>>
      %dma_start3A_92 = arith.constant 0 : i32
      %dma_start3A_93 = tpu.memref_slice %arg9[%dma_start3A_92] : memref<10240xf32, #tpu.memory_space<vmem_shared>> -> memref<10240xf32, #tpu.memory_space<vmem_shared>>
      tpu.enqueue_indirect_dma source(%arg7 : memref<128xf32, #tpu.memory_space<vmem>>) target(%dma_start3A_93 : memref<10240xf32, #tpu.memory_space<vmem_shared>>) offsets(%dma_start3A_91 : memref<128xi32, #tpu.memory_space<vmem>>) semaphore(%arg11 : memref<!tpu.dma_semaphore, #tpu.memory_space<semaphore_mem>>) {add = true}
      %dma_start3A_94 = arith.constant 0 : i32
      %dma_start3A_95 = tpu.memref_slice %arg6[%while3A_89, %dma_start3A_94] : memref<80x128xi32, #tpu.memory_space<vmem>> -> memref<1x128xi32, #tpu.memory_space<vmem>>
      %dma_start3A_96 = tpu.memref_squeeze %dma_start3A_95 : memref<1x128xi32, #tpu.memory_space<vmem>> -> memref<128xi32, #tpu.memory_space<vmem>>
      %dma_start3A_97 = arith.constant 0 : i32
      %dma_start3A_98 = tpu.memref_slice %arg10[%dma_start3A_97] : memref<10240xf32, #tpu.memory_space<vmem_shared>> -> memref<10240xf32, #tpu.memory_space<vmem_shared>>
      tpu.enqueue_indirect_dma source(%arg7 : memref<128xf32, #tpu.memory_space<vmem>>) target(%dma_start3A_98 : memref<10240xf32, #tpu.memory_space<vmem_shared>>) offsets(%dma_start3A_96 : memref<128xi32, #tpu.memory_space<vmem>>) semaphore(%arg11 : memref<!tpu.dma_semaphore, #tpu.memory_space<semaphore_mem>>) {add = true}
      %sub3A_99 = arith.constant 14 : i32
      %sub3A_100 = arith.subi %while3A_89, %sub3A_99 : i32
      %dma_wait3A = arith.constant 0 : i32
      %dma_wait3A_101 = tpu.memref_slice %arg5[%sub3A_100, %dma_wait3A] : memref<80x128xi32, #tpu.memory_space<vmem>> -> memref<1x128xi32, #tpu.memory_space<vmem>>
      %dma_wait3A_102 = tpu.memref_squeeze %dma_wait3A_101 : memref<1x128xi32, #tpu.memory_space<vmem>> -> memref<128xi32, #tpu.memory_space<vmem>>
      %dma_wait3A_103 = arith.constant 0 : i32
      %dma_wait3A_104 = tpu.memref_slice %arg9[%dma_wait3A_103] : memref<10240xf32, #tpu.memory_space<vmem_shared>> -> memref<10240xf32, #tpu.memory_space<vmem_shared>>
      tpu.wait_indirect_dma semaphore(%arg11 : memref<!tpu.dma_semaphore, #tpu.memory_space<semaphore_mem>>) src(%arg7 : memref<128xf32, #tpu.memory_space<vmem>>) dst(%dma_wait3A_104 : memref<10240xf32, #tpu.memory_space<vmem_shared>>)
      %dma_wait3A_105 = arith.constant 0 : i32
      %dma_wait3A_106 = tpu.memref_slice %arg6[%sub3A_100, %dma_wait3A_105] : memref<80x128xi32, #tpu.memory_space<vmem>> -> memref<1x128xi32, #tpu.memory_space<vmem>>
      %dma_wait3A_107 = tpu.memref_squeeze %dma_wait3A_106 : memref<1x128xi32, #tpu.memory_space<vmem>> -> memref<128xi32, #tpu.memory_space<vmem>>
      %dma_wait3A_108 = arith.constant 0 : i32
      %dma_wait3A_109 = tpu.memref_slice %arg10[%dma_wait3A_108] : memref<10240xf32, #tpu.memory_space<vmem_shared>> -> memref<10240xf32, #tpu.memory_space<vmem_shared>>
      tpu.wait_indirect_dma semaphore(%arg11 : memref<!tpu.dma_semaphore, #tpu.memory_space<semaphore_mem>>) src(%arg7 : memref<128xf32, #tpu.memory_space<vmem>>) dst(%dma_wait3A_109 : memref<10240xf32, #tpu.memory_space<vmem_shared>>)
    }
    %while3A_63 = arith.constant 1 : i32
    scf.for %while3A_89 = %while3A_61 to %while3A_57 step %while3A_63  : i32 {
      %dma_start3A = arith.constant 0 : i32
      %dma_start3A_90 = tpu.memref_slice %arg5[%while3A_89, %dma_start3A] : memref<80x128xi32, #tpu.memory_space<vmem>> -> memref<1x128xi32, #tpu.memory_space<vmem>>
      %dma_start3A_91 = tpu.memref_squeeze %dma_start3A_90 : memref<1x128xi32, #tpu.memory_space<vmem>> -> memref<128xi32, #tpu.memory_space<vmem>>
      %dma_start3A_92 = arith.constant 0 : i32
      %dma_start3A_93 = tpu.memref_slice %arg9[%dma_start3A_92] : memref<10240xf32, #tpu.memory_space<vmem_shared>> -> memref<10240xf32, #tpu.memory_space<vmem_shared>>
      tpu.enqueue_indirect_dma source(%arg7 : memref<128xf32, #tpu.memory_space<vmem>>) target(%dma_start3A_93 : memref<10240xf32, #tpu.memory_space<vmem_shared>>) offsets(%dma_start3A_91 : memref<128xi32, #tpu.memory_space<vmem>>) semaphore(%arg11 : memref<!tpu.dma_semaphore, #tpu.memory_space<semaphore_mem>>) {add = true}
      %dma_start3A_94 = arith.constant 0 : i32
      %dma_start3A_95 = tpu.memref_slice %arg6[%while3A_89, %dma_start3A_94] : memref<80x128xi32, #tpu.memory_space<vmem>> -> memref<1x128xi32, #tpu.memory_space<vmem>>
      %dma_start3A_96 = tpu.memref_squeeze %dma_start3A_95 : memref<1x128xi32, #tpu.memory_space<vmem>> -> memref<128xi32, #tpu.memory_space<vmem>>
      %dma_start3A_97 = arith.constant 0 : i32
      %dma_start3A_98 = tpu.memref_slice %arg10[%dma_start3A_97] : memref<10240xf32, #tpu.memory_space<vmem_shared>> -> memref<10240xf32, #tpu.memory_space<vmem_shared>>
      tpu.enqueue_indirect_dma source(%arg7 : memref<128xf32, #tpu.memory_space<vmem>>) target(%dma_start3A_98 : memref<10240xf32, #tpu.memory_space<vmem_shared>>) offsets(%dma_start3A_96 : memref<128xi32, #tpu.memory_space<vmem>>) semaphore(%arg11 : memref<!tpu.dma_semaphore, #tpu.memory_space<semaphore_mem>>) {add = true}
      %sub3A_99 = arith.constant 14 : i32
      %sub3A_100 = arith.subi %while3A_89, %sub3A_99 : i32
      %dma_wait3A = arith.constant 0 : i32
      %dma_wait3A_101 = tpu.memref_slice %arg5[%sub3A_100, %dma_wait3A] : memref<80x128xi32, #tpu.memory_space<vmem>> -> memref<1x128xi32, #tpu.memory_space<vmem>>
      %dma_wait3A_102 = tpu.memref_squeeze %dma_wait3A_101 : memref<1x128xi32, #tpu.memory_space<vmem>> -> memref<128xi32, #tpu.memory_space<vmem>>
      %dma_wait3A_103 = arith.constant 0 : i32
      %dma_wait3A_104 = tpu.memref_slice %arg9[%dma_wait3A_103] : memref<10240xf32, #tpu.memory_space<vmem_shared>> -> memref<10240xf32, #tpu.memory_space<vmem_shared>>
      tpu.wait_indirect_dma semaphore(%arg11 : memref<!tpu.dma_semaphore, #tpu.memory_space<semaphore_mem>>) src(%arg7 : memref<128xf32, #tpu.memory_space<vmem>>) dst(%dma_wait3A_104 : memref<10240xf32, #tpu.memory_space<vmem_shared>>)
      %dma_wait3A_105 = arith.constant 0 : i32
      %dma_wait3A_106 = tpu.memref_slice %arg6[%sub3A_100, %dma_wait3A_105] : memref<80x128xi32, #tpu.memory_space<vmem>> -> memref<1x128xi32, #tpu.memory_space<vmem>>
      %dma_wait3A_107 = tpu.memref_squeeze %dma_wait3A_106 : memref<1x128xi32, #tpu.memory_space<vmem>> -> memref<128xi32, #tpu.memory_space<vmem>>
      %dma_wait3A_108 = arith.constant 0 : i32
      %dma_wait3A_109 = tpu.memref_slice %arg10[%dma_wait3A_108] : memref<10240xf32, #tpu.memory_space<vmem_shared>> -> memref<10240xf32, #tpu.memory_space<vmem_shared>>
      tpu.wait_indirect_dma semaphore(%arg11 : memref<!tpu.dma_semaphore, #tpu.memory_space<semaphore_mem>>) src(%arg7 : memref<128xf32, #tpu.memory_space<vmem>>) dst(%dma_wait3A_109 : memref<10240xf32, #tpu.memory_space<vmem_shared>>)
    }
    %sub3A = arith.constant 14 : i32
    %sub3A_64 = arith.subi %select_n3A, %sub3A : i32
    %max3A = arith.constant 0 : i32
    %max3A_65 = arith.maxsi %sub3A_64, %max3A : i32
    %while3A_66 = arith.subi %select_n3A, %max3A_65 : i32
    %while3A_67 = arith.addi %max3A_65, %while3A_66 : i32
    %while3A_68 = arith.constant 1 : i32
    %while3A_69 = arith.divsi %while3A_66, %while3A_68 : i32
    %while3A_70 = arith.muli %while3A_69, %while3A_68 : i32
    %while3A_71 = arith.addi %max3A_65, %while3A_70 : i32
    %while3A_72 = arith.constant 1 : i32
    scf.for %while3A_89 = %max3A_65 to %while3A_71 step %while3A_72  : i32 {
      %dma_wait3A = arith.constant 0 : i32
      %dma_wait3A_90 = tpu.memref_slice %arg5[%while3A_89, %dma_wait3A] : memref<80x128xi32, #tpu.memory_space<vmem>> -> memref<1x128xi32, #tpu.memory_space<vmem>>
      %dma_wait3A_91 = tpu.memref_squeeze %dma_wait3A_90 : memref<1x128xi32, #tpu.memory_space<vmem>> -> memref<128xi32, #tpu.memory_space<vmem>>
      %dma_wait3A_92 = arith.constant 0 : i32
      %dma_wait3A_93 = tpu.memref_slice %arg9[%dma_wait3A_92] : memref<10240xf32, #tpu.memory_space<vmem_shared>> -> memref<10240xf32, #tpu.memory_space<vmem_shared>>
      tpu.wait_indirect_dma semaphore(%arg11 : memref<!tpu.dma_semaphore, #tpu.memory_space<semaphore_mem>>) src(%arg7 : memref<128xf32, #tpu.memory_space<vmem>>) dst(%dma_wait3A_93 : memref<10240xf32, #tpu.memory_space<vmem_shared>>)
      %dma_wait3A_94 = arith.constant 0 : i32
      %dma_wait3A_95 = tpu.memref_slice %arg6[%while3A_89, %dma_wait3A_94] : memref<80x128xi32, #tpu.memory_space<vmem>> -> memref<1x128xi32, #tpu.memory_space<vmem>>
      %dma_wait3A_96 = tpu.memref_squeeze %dma_wait3A_95 : memref<1x128xi32, #tpu.memory_space<vmem>> -> memref<128xi32, #tpu.memory_space<vmem>>
      %dma_wait3A_97 = arith.constant 0 : i32
      %dma_wait3A_98 = tpu.memref_slice %arg10[%dma_wait3A_97] : memref<10240xf32, #tpu.memory_space<vmem_shared>> -> memref<10240xf32, #tpu.memory_space<vmem_shared>>
      tpu.wait_indirect_dma semaphore(%arg11 : memref<!tpu.dma_semaphore, #tpu.memory_space<semaphore_mem>>) src(%arg7 : memref<128xf32, #tpu.memory_space<vmem>>) dst(%dma_wait3A_98 : memref<10240xf32, #tpu.memory_space<vmem_shared>>)
    }
    %while3A_73 = arith.constant 1 : i32
    scf.for %while3A_89 = %while3A_71 to %while3A_67 step %while3A_73  : i32 {
      %dma_wait3A = arith.constant 0 : i32
      %dma_wait3A_90 = tpu.memref_slice %arg5[%while3A_89, %dma_wait3A] : memref<80x128xi32, #tpu.memory_space<vmem>> -> memref<1x128xi32, #tpu.memory_space<vmem>>
      %dma_wait3A_91 = tpu.memref_squeeze %dma_wait3A_90 : memref<1x128xi32, #tpu.memory_space<vmem>> -> memref<128xi32, #tpu.memory_space<vmem>>
      %dma_wait3A_92 = arith.constant 0 : i32
      %dma_wait3A_93 = tpu.memref_slice %arg9[%dma_wait3A_92] : memref<10240xf32, #tpu.memory_space<vmem_shared>> -> memref<10240xf32, #tpu.memory_space<vmem_shared>>
      tpu.wait_indirect_dma semaphore(%arg11 : memref<!tpu.dma_semaphore, #tpu.memory_space<semaphore_mem>>) src(%arg7 : memref<128xf32, #tpu.memory_space<vmem>>) dst(%dma_wait3A_93 : memref<10240xf32, #tpu.memory_space<vmem_shared>>)
      %dma_wait3A_94 = arith.constant 0 : i32
      %dma_wait3A_95 = tpu.memref_slice %arg6[%while3A_89, %dma_wait3A_94] : memref<80x128xi32, #tpu.memory_space<vmem>> -> memref<1x128xi32, #tpu.memory_space<vmem>>
      %dma_wait3A_96 = tpu.memref_squeeze %dma_wait3A_95 : memref<1x128xi32, #tpu.memory_space<vmem>> -> memref<128xi32, #tpu.memory_space<vmem>>
      %dma_wait3A_97 = arith.constant 0 : i32
      %dma_wait3A_98 = tpu.memref_slice %arg10[%dma_wait3A_97] : memref<10240xf32, #tpu.memory_space<vmem_shared>> -> memref<10240xf32, #tpu.memory_space<vmem_shared>>
      tpu.wait_indirect_dma semaphore(%arg11 : memref<!tpu.dma_semaphore, #tpu.memory_space<semaphore_mem>>) src(%arg7 : memref<128xf32, #tpu.memory_space<vmem>>) dst(%dma_wait3A_98 : memref<10240xf32, #tpu.memory_space<vmem_shared>>)
    }
    %barrier3A_74 = arith.constant 0 : index
    tpu.barrier barrier_id(%barrier3A_74)
    %mul3A_75 = arith.constant 640 : i32
    %mul3A_76 = arith.muli %arg1, %mul3A_75 : i32
    %mul3A_77 = arith.constant 2 : i32
    %mul3A_78 = arith.muli %mul3A_77, %arg0 : i32
    %mul3A_79 = arith.constant 10240 : i32
    %mul3A_80 = arith.muli %mul3A_78, %mul3A_79 : i32
    %add3A_81 = arith.addi %mul3A_80, %mul3A_76 : i32
    "tpu.region"() ({
      %run_scoped3A = tpu.sem_alloc : memref<!tpu.dma_semaphore, #tpu.memory_space<semaphore_mem>>
      %dma_start3A = tpu.memref_slice %arg4[%add3A_81] : memref<40960xf32, #tpu.memory_space<hbm>> -> memref<640xf32, #tpu.memory_space<hbm>>
      %dma_start3A_89 = tpu.memref_slice %arg9[%mul3A_45] : memref<10240xf32, #tpu.memory_space<vmem_shared>> -> memref<640xf32, #tpu.memory_space<vmem_shared>>
      tpu.enqueue_dma source(%dma_start3A_89 : memref<640xf32, #tpu.memory_space<vmem_shared>>) target(%dma_start3A : memref<640xf32, #tpu.memory_space<hbm>>) target_semaphore(%run_scoped3A : memref<!tpu.dma_semaphore, #tpu.memory_space<semaphore_mem>>)
      %dma_wait3A = tpu.memref_slice %arg4[%add3A_81] : memref<40960xf32, #tpu.memory_space<hbm>> -> memref<640xf32, #tpu.memory_space<hbm>>
      %dma_wait3A_90 = tpu.memref_slice %arg9[%mul3A_45] : memref<10240xf32, #tpu.memory_space<vmem_shared>> -> memref<640xf32, #tpu.memory_space<vmem_shared>>
      tpu.wait_dma2 semaphore(%run_scoped3A : memref<!tpu.dma_semaphore, #tpu.memory_space<semaphore_mem>>) src(%dma_wait3A_90 : memref<640xf32, #tpu.memory_space<vmem_shared>>) dst(%dma_wait3A : memref<640xf32, #tpu.memory_space<hbm>>)
      tpu.yield
    }) : () -> ()
    %mul3A_82 = arith.constant 2 : i32
    %mul3A_83 = arith.muli %mul3A_82, %arg0 : i32
    %add3A_84 = arith.constant 1 : i32
    %add3A_85 = arith.addi %mul3A_83, %add3A_84 : i32
    %mul3A_86 = arith.constant 10240 : i32
    %mul3A_87 = arith.muli %add3A_85, %mul3A_86 : i32
    %add3A_88 = arith.addi %mul3A_87, %mul3A_76 : i32
    "tpu.region"() ({
      %run_scoped3A = tpu.sem_alloc : memref<!tpu.dma_semaphore, #tpu.memory_space<semaphore_mem>>
      %dma_start3A = tpu.memref_slice %arg4[%add3A_88] : memref<40960xf32, #tpu.memory_space<hbm>> -> memref<640xf32, #tpu.memory_space<hbm>>
      %dma_start3A_89 = tpu.memref_slice %arg10[%mul3A_45] : memref<10240xf32, #tpu.memory_space<vmem_shared>> -> memref<640xf32, #tpu.memory_space<vmem_shared>>
      tpu.enqueue_dma source(%dma_start3A_89 : memref<640xf32, #tpu.memory_space<vmem_shared>>) target(%dma_start3A : memref<640xf32, #tpu.memory_space<hbm>>) target_semaphore(%run_scoped3A : memref<!tpu.dma_semaphore, #tpu.memory_space<semaphore_mem>>)
      %dma_wait3A = tpu.memref_slice %arg4[%add3A_88] : memref<40960xf32, #tpu.memory_space<hbm>> -> memref<640xf32, #tpu.memory_space<hbm>>
      %dma_wait3A_90 = tpu.memref_slice %arg10[%mul3A_45] : memref<10240xf32, #tpu.memory_space<vmem_shared>> -> memref<640xf32, #tpu.memory_space<vmem_shared>>
      tpu.wait_dma2 semaphore(%run_scoped3A : memref<!tpu.dma_semaphore, #tpu.memory_space<semaphore_mem>>) src(%dma_wait3A_90 : memref<640xf32, #tpu.memory_space<vmem_shared>>) dst(%dma_wait3A : memref<640xf32, #tpu.memory_space<hbm>>)
      tpu.yield
    }) : () -> ()
    return
  }
}

module attributes {stable_mosaic.version = 14 : i64} {
  func.func @_prep_body(%arg0: i32, %arg1: memref<2x128xf32, #tpu.memory_space<vmem>>, %arg2: memref<1024x128xf32, #tpu.memory_space<vmem>>, %arg3: memref<4x1024xf32, #tpu.memory_space<vmem>>, %arg4: memref<2x1024xf32, #tpu.memory_space<vmem>>, %arg5: memref<1x1024xf32, #tpu.memory_space<vmem>>) attributes {dimension_semantics = [#tpu.dimension_semantics<arbitrary>], iteration_bounds = array<i64: 10>, scalar_prefetch = 0 : i64, scratch_operands = 0 : i64, tpu.core_type = #tpu.core_type<tc>, window_params = [{pipeline_mode = #tpu.pipeline_mode<synchronous>, transform_indices = @transform_0, window_bounds = array<i64: 2, 128>}, {transform_indices = @transform_1, window_bounds = array<i64: 1024, 128>}, {transform_indices = @transform_2, window_bounds = array<i64: 4, 1024>}, {transform_indices = @transform_3, window_bounds = array<i64: 2, 1024>}, {transform_indices = @transform_4, window_bounds = array<i64: 1, 1024>}]} {
    %get3A = arith.constant 0 : index
    %get3A_0 = arith.constant 0 : index
    %get3A_1 = vector.load %arg1[%get3A, %get3A_0] : memref<2x128xf32, #tpu.memory_space<vmem>>, vector<2x128xf32>
    %get3A_2 = arith.constant 0 : index
    %get3A_3 = arith.constant 0 : index
    %get3A_4 = vector.load %arg2[%get3A_2, %get3A_3] : memref<1024x128xf32, #tpu.memory_space<vmem>>, vector<1024x128xf32>
    %dot_general3A = arith.constant dense<0.000000e+00> : vector<2x1024xf32>
    %dot_general3A_5 = tpu.matmul %get3A_1, %get3A_4, %dot_general3A {dimension_numbers = #tpu.dot_dimension_numbers<[1], [1], [0], [0], [0, 0, 1, 0], [], []>, transpose_lhs_hint = false} : vector<2x128xf32>, vector<1024x128xf32>, vector<2x1024xf32> -> vector<2x1024xf32>
    %get3A_6 = arith.constant 0 : index
    %get3A_7 = arith.constant 0 : index
    %get3A_8 = vector.load %arg3[%get3A_6, %get3A_7] : memref<4x1024xf32, #tpu.memory_space<vmem>>, vector<4x1024xf32>
    %slice3A = vector.extract_strided_slice %get3A_8 {offsets = [0, 0], sizes = [1, 1024], strides = [1, 1]} : vector<4x1024xf32> to vector<1x1024xf32>
    %slice3A_9 = vector.extract_strided_slice %get3A_8 {offsets = [2, 0], sizes = [1, 1024], strides = [1, 1]} : vector<4x1024xf32> to vector<1x1024xf32>
    %add3A = arith.addf %slice3A, %slice3A_9 : vector<1x1024xf32>
    %slice3A_10 = vector.extract_strided_slice %get3A_8 {offsets = [1, 0], sizes = [1, 1024], strides = [1, 1]} : vector<4x1024xf32> to vector<1x1024xf32>
    %slice3A_11 = vector.extract_strided_slice %get3A_8 {offsets = [3, 0], sizes = [1, 1024], strides = [1, 1]} : vector<4x1024xf32> to vector<1x1024xf32>
    %add3A_12 = arith.addf %slice3A_10, %slice3A_11 : vector<1x1024xf32>
    %gt3A = arith.constant 0.000000e+00 : f32
    %gt3A_13 = vector.broadcast %gt3A : f32 to vector<1x1024xf32>
    %gt3A_14 = arith.cmpf ogt, %add3A, %gt3A_13 : vector<1x1024xf32>
    %max3A = arith.constant 1.000000e+00 : f32
    %max3A_15 = vector.broadcast %max3A : f32 to vector<1x1024xf32>
    %max3A_16 = arith.maximumf %add3A, %max3A_15 : vector<1x1024xf32>
    %rsqrt3A = math.rsqrt %max3A_16 : vector<1x1024xf32>
    %jit3A = arith.constant 0.000000e+00 : f32
    %broadcast_in_dim3A = vector.broadcast %jit3A : f32 to vector<1x1024xf32>
    %select_n3A = arith.select %gt3A_14, %rsqrt3A, %broadcast_in_dim3A : vector<1x1024xi1>, vector<1x1024xf32>
    %gt3A_17 = arith.constant 0.000000e+00 : f32
    %gt3A_18 = vector.broadcast %gt3A_17 : f32 to vector<1x1024xf32>
    %gt3A_19 = arith.cmpf ogt, %add3A_12, %gt3A_18 : vector<1x1024xf32>
    %max3A_20 = arith.constant 1.000000e+00 : f32
    %max3A_21 = vector.broadcast %max3A_20 : f32 to vector<1x1024xf32>
    %max3A_22 = arith.maximumf %add3A_12, %max3A_21 : vector<1x1024xf32>
    %rsqrt3A_23 = math.rsqrt %max3A_22 : vector<1x1024xf32>
    %jit3A_24 = arith.constant 0.000000e+00 : f32
    %broadcast_in_dim3A_25 = vector.broadcast %jit3A_24 : f32 to vector<1x1024xf32>
    %select_n3A_26 = arith.select %gt3A_19, %rsqrt3A_23, %broadcast_in_dim3A_25 : vector<1x1024xi1>, vector<1x1024xf32>
    %mul3A = vector.broadcast %select_n3A : vector<1x1024xf32> to vector<2x1024xf32>
    %mul3A_27 = arith.mulf %dot_general3A_5, %mul3A : vector<2x1024xf32>
    %swap3A = arith.constant 0 : index
    %swap3A_28 = arith.constant 0 : index
    %swap3A_29 = vector.load %arg4[%swap3A, %swap3A_28] : memref<2x1024xf32, #tpu.memory_space<vmem>>, vector<2x1024xf32>
    tpu.vector_store %arg4[%swap3A, %swap3A_28], %mul3A_27 {strides = array<i32>} : memref<2x1024xf32, #tpu.memory_space<vmem>>, vector<2x1024xf32>,
    %swap3A_30 = arith.constant 0 : index
    %swap3A_31 = arith.constant 0 : index
    %swap3A_32 = vector.load %arg5[%swap3A_30, %swap3A_31] : memref<1x1024xf32, #tpu.memory_space<vmem>>, vector<1x1024xf32>
    tpu.vector_store %arg5[%swap3A_30, %swap3A_31], %select_n3A_26 {strides = array<i32>} : memref<1x1024xf32, #tpu.memory_space<vmem>>, vector<1x1024xf32>,
    return
  }
  func.func @transform_0(%arg0: i32) -> (i32, i32) {
    %c0_i32 = arith.constant 0 : i32
    %c0_i32_0 = arith.constant 0 : i32
    %c0_i32_1 = arith.constant 0 : i32
    return %c0_i32, %c0_i32_0 : i32, i32
  }
  func.func @transform_1(%arg0: i32) -> (i32, i32) {
    %c0_i32 = arith.constant 0 : i32
    %c0_i32_0 = arith.constant 0 : i32
    return %arg0, %c0_i32 : i32, i32
  }
  func.func @transform_2(%arg0: i32) -> (i32, i32) {
    %c0_i32 = arith.constant 0 : i32
    %c0_i32_0 = arith.constant 0 : i32
    return %c0_i32, %arg0 : i32, i32
  }
  func.func @transform_3(%arg0: i32) -> (i32, i32) {
    %c0_i32 = arith.constant 0 : i32
    %c0_i32_0 = arith.constant 0 : i32
    return %c0_i32, %arg0 : i32, i32
  }
  func.func @transform_4(%arg0: i32) -> (i32, i32) {
    %c0_i32 = arith.constant 0 : i32
    %c0_i32_0 = arith.constant 0 : i32
    return %c0_i32, %arg0 : i32, i32
  }
}

module attributes {stable_mosaic.version = 14 : i64} {
  func.func @_fin_body(%arg0: i32, %arg1: memref<4x1024xf32, #tpu.memory_space<vmem>>, %arg2: memref<1x1024xf32, #tpu.memory_space<vmem>>, %arg3: memref<2x1xf32, #tpu.memory_space<vmem>>, %arg4: memref<2x1024xf32, #tpu.memory_space<vmem>>) attributes {dimension_semantics = [#tpu.dimension_semantics<arbitrary>], iteration_bounds = array<i64: 10>, scalar_prefetch = 0 : i64, scratch_operands = 0 : i64, tpu.core_type = #tpu.core_type<tc>, window_params = [{transform_indices = @transform_0, window_bounds = array<i64: 4, 1024>}, {transform_indices = @transform_1, window_bounds = array<i64: 1, 1024>}, {pipeline_mode = #tpu.pipeline_mode<synchronous>, transform_indices = @transform_2, window_bounds = array<i64: 2, 1>}, {transform_indices = @transform_3, window_bounds = array<i64: 2, 1024>}]} {
    %get3A = arith.constant 0 : index
    %get3A_0 = arith.constant 0 : index
    %get3A_1 = vector.load %arg1[%get3A, %get3A_0] : memref<4x1024xf32, #tpu.memory_space<vmem>>, vector<4x1024xf32>
    %slice3A = vector.extract_strided_slice %get3A_1 {offsets = [0, 0], sizes = [1, 1024], strides = [1, 1]} : vector<4x1024xf32> to vector<1x1024xf32>
    %slice3A_2 = vector.extract_strided_slice %get3A_1 {offsets = [2, 0], sizes = [1, 1024], strides = [1, 1]} : vector<4x1024xf32> to vector<1x1024xf32>
    %add3A = arith.addf %slice3A, %slice3A_2 : vector<1x1024xf32>
    %slice3A_3 = vector.extract_strided_slice %get3A_1 {offsets = [1, 0], sizes = [1, 1024], strides = [1, 1]} : vector<4x1024xf32> to vector<1x1024xf32>
    %slice3A_4 = vector.extract_strided_slice %get3A_1 {offsets = [3, 0], sizes = [1, 1024], strides = [1, 1]} : vector<4x1024xf32> to vector<1x1024xf32>
    %add3A_5 = arith.addf %slice3A_3, %slice3A_4 : vector<1x1024xf32>
    %concatenate3A = tpu.concatenate %add3A, %add3A_5 in 0 : vector<1x1024xf32>, vector<1x1024xf32> -> vector<2x1024xf32>
    %get3A_6 = arith.constant 0 : index
    %get3A_7 = arith.constant 0 : index
    %get3A_8 = vector.load %arg2[%get3A_6, %get3A_7] : memref<1x1024xf32, #tpu.memory_space<vmem>>, vector<1x1024xf32>
    %mul3A = vector.broadcast %get3A_8 : vector<1x1024xf32> to vector<2x1024xf32>
    %mul3A_9 = arith.mulf %concatenate3A, %mul3A : vector<2x1024xf32>
    %get3A_10 = arith.constant 0 : index
    %get3A_11 = arith.constant 0 : index
    %get3A_12 = vector.load %arg3[%get3A_10, %get3A_11] : memref<2x1xf32, #tpu.memory_space<vmem>>, vector<2x1xf32>
    %add3A_13 = vector.broadcast %get3A_12 : vector<2x1xf32> to vector<2x1024xf32>
    %add3A_14 = arith.addf %mul3A_9, %add3A_13 : vector<2x1024xf32>
    %swap3A = arith.constant 0 : index
    %swap3A_15 = arith.constant 0 : index
    %swap3A_16 = vector.load %arg4[%swap3A, %swap3A_15] : memref<2x1024xf32, #tpu.memory_space<vmem>>, vector<2x1024xf32>
    tpu.vector_store %arg4[%swap3A, %swap3A_15], %add3A_14 {strides = array<i32>} : memref<2x1024xf32, #tpu.memory_space<vmem>>, vector<2x1024xf32>,
    return
  }
  func.func @transform_0(%arg0: i32) -> (i32, i32) {
    %c0_i32 = arith.constant 0 : i32
    %c0_i32_0 = arith.constant 0 : i32
    return %c0_i32, %arg0 : i32, i32
  }
  func.func @transform_1(%arg0: i32) -> (i32, i32) {
    %c0_i32 = arith.constant 0 : i32
    %c0_i32_0 = arith.constant 0 : i32
    return %c0_i32, %arg0 : i32, i32
  }
  func.func @transform_2(%arg0: i32) -> (i32, i32) {
    %c0_i32 = arith.constant 0 : i32
    %c0_i32_0 = arith.constant 0 : i32
    %c0_i32_1 = arith.constant 0 : i32
    return %c0_i32, %c0_i32_0 : i32, i32
  }
  func.func @transform_3(%arg0: i32) -> (i32, i32) {
    %c0_i32 = arith.constant 0 : i32
    %c0_i32_0 = arith.constant 0 : i32
    return %c0_i32, %arg0 : i32, i32
  }
}

</mosaic_0001>

<sc_bundles>
// kernel: kernel.6.cloned.1.call-start
scs
__scs_entry_jumppad:
0x0: {  	(pc) =	sbr.rel $0x88, $3  }
0x1: {  	(tag) =	ssettag $0x0;
	lr =	simm.s32 $0x1  }
0x2: {  	[smem:$0x3F97] =	sst lr;
	_ =	strace $0xD0000000  }
0x3: {  	_ = 	snop  }
0x4: {  	_ = 	snop  }
0x5: {  	_ = 	snop  }
0x6: {  	_ = 	snop  }
0x7: {  	_ = 	snop  }
__scs_overlays_trampoline_lowered:
0x8: {  	[smem:$0x3FA6] =	sst s0  }
0x9: {  	[smem:$0x3FA7] =	sst s1  }
0xa: {  	[smem:$0x3FA8] =	sst s2  }
0xb: {  	[smem:$0x3FA9] =	sst s3  }
0xc: {  	[smem:$0x3FAA] =	sst s4  }
0xd: {  	[smem:$0x3FAB] =	sst s5  }
0xe: {  	[smem:$0x3FAC] =	sst s6  }
0xf: {  	[smem:$0x3FAD] =	sst s7  }
0x10: {  	[smem:$0x3FAE] =	sst s8  }
0x11: {  	[smem:$0x3FAF] =	sst s9;
	s0 =	simm.s32 @!p0 $0x0  }
0x12: {  	s1 =	sld [smem:$0x3F95];
	s0 =	simm.s32 @p0 $0x1  }
0x13: {  	[smem:$0x3FB0] =	sst s0;
	s0 =	simm.s32 @!p1 $0x0  }
0x14: {  	s2 =	sld [smem:$0x3F94];
	s0 =	simm.s32 @p1 $0x1  }
0x15: {  	[smem:$0x3FB1] =	sst s0;
	s0 =	simm.s32 @!p2 $0x0  }
0x16: {  	s3 =	sld [smem:$0x3FDB];
	s0 =	simm.s32 @p2 $0x1  }
0x17: {  	s4 =	simm.s32 $0x1BF5;
	[smem:$0x3FB3] =	sst s0  }
0x18: {  	s0 =	sld [smem:$0x3F96];
	_ =	swait.ge [sflag:s4], $0x0  }
0x19: {  	s7 =	sld [smem:$0x3F97]  }
0x1a: {  	s8 =	sadd.s32 $0xFFFFE003, lr  }
0x1b: {  	s9 =	sadd.s32 $0xFFFFFEF7, lr;
	s5 =	simm.s32 $0xFFFFFFFF;
	p2 =	slt.u32 s8, $0xFFFFF086  }
0x1c: {  	p1 =	slt.u32 s9, $0xF7A;
	s5 =	simm.s32 @!p2 $0x0  }
0x1d: {  	s5 =	simm.s32 @p1 $0x1;
	p0 =	seq.s32 s7, s2  }
0x1e: {  	s7 =	smul.u32 @!p0 $0xF7A, s2;
	p2 =	seq.s32 @!p0 s5, $0x0  }
0x1f: {  	s9 =	smul.u32 $0xF7A, s1;
	s8 =	simm.s32 @!p0 $0x1BF5;
	p2 =	por !p2, p0  }
0x20: {  	[sflag:s8] =	ssyncset.s32 @!p0 $0xFFFFF086;
	s6 =	sadd.s32 @!p0 s3, s7;
	s7 =	simm.s32 @!p0 $0x108  }
0x21: {  	s3 =	sadd.s32 s3, s9;
	s6 =	sadd.s32 @!p0 $0x88, s6;
	s7 =	simm.s32 @p2 $0x1082  }
0x22: {  	[simem:s7], [sflag:s8] =	dma.local @!p0 [hbm:s6], $0xF7A  }
0x23: {  	s9 =	sor.u32 $0xD0000000, s2;
	s6 =	simm.s32 $0x108;
	_ =	swait.ge @!p0 [sflag:s8], $0x0  }
0x24: {  	s3 =	sadd.s32 $0x88, s3;
	s6 =	simm.s32 @!p1 $0x1082;
	[sflag:s4] =	ssyncset.s32 $0xFFFFF086  }
0x25: {  	[simem:s6], [sflag:s4] =	dma.local [hbm:s3], $0xF7A  }
0x26: {  	[smem:$0x3F97] =	sst s1;
	(tag) =	ssettag s2;
	_ =	strace s9  }
0x27: {  	s1 =	sld [smem:$0x3FA7]  }
0x28: {  	s2 =	sld [smem:$0x3FA8]  }
0x29: {  	s4 =	sld [smem:$0x3FAA]  }
0x2a: {  	p0 =	seq.s32 s5, $0x0;
	s5 =	sld [smem:$0x3FAB]  }
0x2b: {  	s6 =	sld [smem:$0x3FAC]  }
0x2c: {  	s7 =	sld [smem:$0x3FAD]  }
0x2d: {  	s3 =	simm.s32 $0x108;
	s8 =	sld [smem:$0x3FAE]  }
0x2e: {  	s3 =	simm.s32 @!p0 $0x1082;
	s9 =	sld [smem:$0x3FAF]  }
0x2f: {  	lr =	sadd.s32 s0, s3;
	s0 =	sld [smem:$0x3FA6]  }
0x30: {  	s3 =	sld [smem:$0x3FA9]  }
0x31: {  	[smem:$0x3FB2] =	sst s10  }
0x32: {  	s10 =	sld [smem:$0x3FB0];
	_ =	sdelay $0x3  }
0x33: {  	p0 =	seq.s32 s10, $0x1;
	s10 =	sld [smem:$0x3FB2];
	_ =	sdelay $0x3  }
0x34: {  	[smem:$0x3FB2] =	sst s10  }
0x35: {  	s10 =	sld [smem:$0x3FB1];
	_ =	sdelay $0x3  }
0x36: {  	p1 =	seq.s32 s10, $0x1;
	s10 =	sld [smem:$0x3FB2];
	_ =	sdelay $0x3  }
0x37: {  	[smem:$0x3FB2] =	sst s10  }
0x38: {  	s10 =	sld [smem:$0x3FB3]  }
0x39: {  	_ = 	snop;
	(pc) =	sbr.ind lr, $3  }
0x3a: {  	_ = 	snop  }
0x3b: {  	_ = 	snop  }
0x3c: {  	p2 =	seq.s32 s10, $0x1;
	s10 =	sld [smem:$0x3FB2]  }
0x3d: {  	_ =	shalt  }
0x3e: {  	_ =	shalt  }
0x3f: {  	_ =	shalt  }
0x40: {  	_ =	shalt  }
0x41: {  	_ =	shalt  }
0x42: {  	_ =	shalt  }
0x43: {  	_ =	shalt  }
0x44: {  	_ =	shalt  }
0x45: {  	_ =	shalt  }
0x46: {  	_ =	shalt  }
0x47: {  	_ =	shalt  }
0x48: {  	_ =	shalt  }
0x49: {  	_ =	shalt  }
0x4a: {  	_ =	shalt  }
0x4b: {  	_ =	shalt  }
0x4c: {  	_ =	shalt  }
0x4d: {  	_ =	shalt  }
0x4e: {  	_ =	shalt  }
0x4f: {  	_ =	shalt  }
0x50: {  	_ =	shalt  }
0x51: {  	_ =	shalt  }
0x52: {  	_ =	shalt  }
0x53: {  	_ =	shalt  }
0x54: {  	_ =	shalt  }
0x55: {  	_ =	shalt  }
0x56: {  	_ =	shalt  }
0x57: {  	_ =	shalt  }
0x58: {  	_ =	shalt  }
0x59: {  	_ =	shalt  }
0x5a: {  	_ =	shalt  }
0x5b: {  	_ =	shalt  }
0x5c: {  	_ =	shalt  }
0x5d: {  	_ =	shalt  }
0x5e: {  	_ =	shalt  }
0x5f: {  	_ =	shalt  }
0x60: {  	_ =	shalt  }
0x61: {  	_ =	shalt  }
0x62: {  	_ =	shalt  }
0x63: {  	_ =	shalt  }
0x64: {  	_ =	shalt  }
0x65: {  	_ =	shalt  }
0x66: {  	_ =	shalt  }
0x67: {  	_ =	shalt  }
0x68: {  	_ =	shalt  }
0x69: {  	_ =	shalt  }
0x6a: {  	_ =	shalt  }
0x6b: {  	_ =	shalt  }
0x6c: {  	_ =	shalt  }
0x6d: {  	_ =	shalt  }
0x6e: {  	_ =	shalt  }
0x6f: {  	_ =	shalt  }
0x70: {  	_ =	shalt  }
0x71: {  	_ =	shalt  }
0x72: {  	_ =	shalt  }
0x73: {  	_ =	shalt  }
0x74: {  	_ =	shalt  }
0x75: {  	_ =	shalt  }
0x76: {  	_ =	shalt  }
0x77: {  	_ =	shalt  }
0x78: {  	_ =	shalt  }
0x79: {  	_ =	shalt  }
0x7a: {  	_ =	shalt  }
0x7b: {  	_ =	shalt  }
0x7c: {  	_ =	shalt  }
0x7d: {  	_ =	shalt  }
0x7e: {  	_ =	shalt  }
0x7f: {  	_ =	shalt  }
0x80: {  	_ =	shalt  }
0x81: {  	_ =	shalt  }
0x82: {  	_ =	shalt  }
0x83: {  	_ =	shalt  }
0x84: {  	_ =	shalt  }
0x85: {  	_ =	shalt  }
0x86: {  	_ =	shalt  }
0x87: {  	_ =	shalt  }
.Lfunc_end0:
.L_simem_size_0:
called_computation_lowered:
.L_overlay_start_0:
0x88: {  	s2 =	sld [smem:$0x3FD9]  }
0x89: {  	s3 =	sld [smem:$0x3FFE];
	_ =	sdelay $0x1  }
0x8a: {  	s1 =	srdreg.scid  }
0x8b: {  	s0 =	sand.u32 $0x1, s1  }
0x8c: {  	s16 =	sshll.u32 s0, $0xA;
	s2 =	sadd.s32 s3, s2  }
0x8d: {  	s2 =	sadd.s32 s2, s16  }
0x8e: {  	[smem:$0x3FBE] =	sst s2  }
0x8f: {  	_ = 	snop  }
0x90: {  	(tm) =	ssettm $0x1  }
0x91: {  	s17 =	sld [smem:$0x3FFB];
	_ =	sdelay $0x3  }
0x92: {  	_ =	strace s17  }
0x93: {  	s2 =	sld [smem:$0x3FFC];
	_ =	sdelay $0x3  }
0x94: {  	_ =	strace s2  }
0x95: {  	s2 =	sld [smem:$0x3FFD];
	_ =	sdelay $0x3  }
0x96: {  	_ =	strace s2  }
0x97: {  	_ =	strace $0x8FFFFFFF  }
0x98: {  	s18 =	sld [smem:$0x3FDB];
	_ =	sdelay $0x1  }
0x99: {  	s19 =	simm.s32 $_scs_section_size  }
0x9a: {  	s4 =	simm.s32 $_size__tile_overlayer_lowered;
	s5 =	simm.s32 $_tile_overlayer_lowered  }
0x9b: {  	s22 =	simm.s32 $0x1BFF;
	s21 =	sshll.u32 s5, $0x1;
	s2 =	sadd.s32 s19, s18  }
0x9c: {  	s6 =	simm.s32 $0x0;
	s20 =	sshll.u32 s4, $0x1;
	s4 =	sadd.s32 s21, s2  }
0x9d: {  	[timem:s6], [sflag:s22] =	dma.local [hbm:s4], s20  }
0x9e: {  	_ =	swait.ge [sflag:s22], s20  }
0x9f: {  	s3 =	ssub.s32 $0x0, s20;
	[sflag:s22] =	ssyncset.done $0x0  }
0xa0: {  	[sflag:s22] =	ssyncadd.s32 s3;
	_ =	sdelay $0x1  }
0xa1: {  	s23 =	simm.s32 $0x1B8B  }
0xa2: {  	_ =	swait.ge [sflag:s23], $0x1  }
0xa3: {  	[sflag:s23] =	ssyncset.done $0x0  }
0xa4: {  	s25 =	simm.s32 $0x1B8E;
	s24 =	sld [smem:$0x3FFE];
	[sflag:s23] =	ssyncadd.s32 $0xFFFFFFFF  }
0xa5: {  	s26 =	simm.s32 $execute0_lowered;
	[smem:$0x3FD2] =	sst s25  }
0xa6: {  	s4 =	sshll.u32 s26, $0x1;
	_ =	strace $0x80000046;
	[dreg:$0x1] =	wrdreg $0xFFFFFFFF  }
0xa7: {  	s28 =	simm.s32 $_size_execute0_lowered;
	s2 =	sadd.s32 s2, s4;
	[dreg:$0x0] =	wrdreg $0x0  }
0xa8: {  	s4 =	sshll.u32 s28, $0x1;
	[dreg:$0x2] =	wrdreg s2  }
0xa9: {  	[dreg:$0x3] =	wrdreg s4  }
0xaa: {  	[dreg:$0x4] =	wrdreg $0xC0  }
0xab: {  	_ =	task [dreg:s6], $0x5FFFF  }
0xac: {  	[dreg:$0x1] =	wrdreg $0xFFFFFFFF  }
0xad: {  	[dreg:$0x0] =	wrdreg $0x60  }
0xae: {  	[dreg:$0x2] =	wrdreg s24  }
0xaf: {  	[dreg:$0x3] =	wrdreg $0x53000  }
0xb0: {  	[dreg:$0x4] =	wrdreg $0x55800  }
0xb1: {  	[dreg:$0x5] =	wrdreg $0x9  }
0xb2: {  	_ =	task.clear_ibuf [dreg:s6], $0x6FFFF;
	_ =	strace $0x90000046  }
0xb3: {  	s29 =	simm.s32 $0x9;
	_ =	strace $0x80000048  }
0xb4: {  	_ =	swait.ge [sflag:s29], $0x1  }
0xb5: {  	[sflag:s29] =	ssyncadd.s32 $0xFFFFFFFF  }
0xb6: {  	_ =	strace $0x90000048  }
0xb7: {  	_ =	sfence  }
0xb8: {  	s30 =	sld [smem:$0x0];
	_ =	sdelay $0x2  }
0xb9: {  	s31 =	sshll.u32 s1, $0xD;
	s1 =	sshrl.u32 s1, $0x2  }
0xba: {  	s3 =	sand.u32 $0x4000, s31;
	s1 =	sadd.s32 s1, s30  }
0xbb: {  	s0 =	sor.u32 s3, s0;
	s1 =	sshll.u32 s1, $0x11  }
0xbc: {  	s0 =	sor.u32 s1, s0  }
0xbd: {  	s0 =	sadd.s32 $0x8F2B, s0  }
0xbe: {  	[sflag:s0] =	ssyncadd.remote.s32 $0x1  }
0xbf: {  	_ =	sfence.sel $0xFFFF  }
0xc0: {  	[dreg:$0x0] =	wrdreg $0xFFFFFFFF;
	(pc) =	sbr.abs _section_cstart, $3  }
0xc1: {  	[dreg:$0x1] =	wrdreg $0xFFFFFFFF  }
0xc2: {  	_ =	task.clear_ibuf [dreg:s6], $0x2FFFF;
	_ =	strace $0x9FFFFFFF  }
0xc3: {  	(tm) =	ssettm $0x7FFFFFFF  }
tec
execute0_lowered:
.L_overlay_start_1:
0x0: {  	(tag) =	ssettag $0x1  }
0x1: {  	s0 =	rddreg [dreg:$0x0]  }
0x2: {  	s2 =	rddreg [dreg:$0x1]  }
0x3: {  	s3 =	rddreg [dreg:$0x2];
	s1 =	srdreg.scid  }
0x4: {  	s5 =	stileid.u32;
	s6 =	simm.s32 $0x0;
	s16 =	simm.s32 $0x5080  }
0x5: {  	s17 =	simm.s32 $0x2;
	s18 =	simm.s32 $0x80;
	s19 =	simm.s32 $0x5000  }
0x6: {  	s28 =	simm.s32 $0x2D80;
	s29 =	simm.s32 $0x600;
	s30 =	simm.s32 $0x2E00  }
0x7: {  	s31 =	simm.s32 $0x680;
	s1 =	sand.u32 $0x1, s1;
	s4 =	sshll.u32 s5, $0x1  }
0x8: {  	s11 =	smul.u32 $0x280, s5;
	[smem:$0x7FF] =	sst s6;
	s9 =	sadd.s32 $0xA700, s0  }
0x9: {  	s4 =	sor.u32 s1, s4;
	s23 =	smul.u32 $0x5000, s1;
	s1 =	ssub.s32 $0x2, s1  }
0xa: {  	_ =	strace $0x80000047;
	s24 =	smul.u32 $0x500, s4;
	s8 =	sshrl.u32 s1, $0x1  }
0xb: {  	p0 =	seq.s32 s4, $0x1F;
	s10 =	sadd.s32 s11, s2;
	s4 =	simm.s32 $0x1  }
0xc: {  	s5 =	sadd.s32 s11, s23;
	s1 =	ssub.s32 s1, s8;
	s8 =	sadd.s32 $0x14500, s0  }
0xd: {  	s11 =	sadd.s32 s11, s3;
	s23 =	simm.s32 $0x2C80;
	s7 =	sadd.s32 s24, s0  }
0xe: {  	s25 =	sshrl.u32 s5, $0x3;
	s5 =	simm.s32 $0x14;
	s15 =	smax.u32 s1, $0x1  }
0xf: {  	s24 =	simm.s32 $0x500;
	s1 =	simm.s32 $0x0;
	s26 =	sadd.s32 s25, s0  }
0x10: {  	s5 =	simm.s32 @!p0 $0x50;
	s6 =	sadd.s32 $0xAA00, s7;
	s7 =	sadd.s32 $0xC00, s7  }
0x11: {  	s25 =	simm.s32 $0x2D00;
	s0 =	simm.s32 $0x2E80;
	s12 =	sadd.s32 $0xFFFFFFF2, s5  }
0x12: {  	v0 =	vimm.f32 $1.000000000e+00;
	v1 =	vimm.f32 $0.0e+00;
	s13 =	sadd.s32 $0x14800, s26;
	s14 =	sadd.s32 $0x14D00, s26;
	s26 =	simm.s32 $0x580  }
.LBB2_1:
0x13: {  	s20 =	simm.s32 @p0 $0x0;
	s21 =	simm.s32 @p0 $0x2  }
0x14: {  	[tilespmem:s20], [sflag:$0x2] =	stream.linear.gather @p0 [hbm4b:s8+s20], $0xA00, $0x38;
	[tilespmem:$0x5800] =	vst v63  }
0x15: {  	_ =	swait.ge @p0 [sflag:s21], $0xA00  }
0x16: {  	[sflag:s21] =	ssyncset.done @p0 $0x0  }
0x17: {  	s22 =	simm.s32 @p0 $0x2800;
	[sflag:s21] =	ssyncadd.s32 @p0 $0xFFFFF600  }
0x18: {  	[tilespmem:s22], [sflag:$0x2] =	stream.linear.gather @p0 [hbm4b:s9+s20], $0xA00, $0x38;
	[tilespmem:$0x5800] =	vst v63  }
0x19: {  	_ =	swait.ge @p0 [sflag:s21], $0xA00  }
0x1a: {  	[sflag:s21] =	ssyncset.done @p0 $0x0  }
0x1b: {  	s20 =	simm.s32 @!p0 $0x0;
	[sflag:s21] =	ssyncadd.s32 @p0 $0xFFFFF600;
	s21 =	simm.s32 @!p0 $0x2  }
0x1c: {  	[tilespmem:s20], [sflag:$0x2] =	stream.linear.gather @!p0 [hbm4b:s6+s20], $0x2800, $0x38;
	[tilespmem:$0x5800] =	vst v63  }
0x1d: {  	_ =	swait.ge @!p0 [sflag:s21], $0x2800  }
0x1e: {  	[sflag:s21] =	ssyncset.done @!p0 $0x0  }
0x1f: {  	s22 =	simm.s32 @!p0 $0x2800;
	[sflag:s21] =	ssyncadd.s32 @!p0 $0xFFFFD800  }
0x20: {  	[tilespmem:s22], [sflag:$0x2] =	stream.linear.gather @!p0 [hbm4b:s7+s20], $0x2800, $0x38;
	[tilespmem:$0x5800] =	vst v63  }
0x21: {  	_ =	swait.ge @!p0 [sflag:s21], $0x2800  }
0x22: {  	[sflag:s21] =	ssyncset.done @!p0 $0x0  }
0x23: {  	[sflag:s21] =	ssyncadd.s32 @!p0 $0xFFFFD800  }
0x24: {  	[tilespmem:$0x5000] =	vst v0  }
0x25: {  	[tilespmem:$0x5010] =	vst v0  }
0x26: {  	[tilespmem:$0x5020] =	vst v0  }
0x27: {  	[tilespmem:$0x5030] =	vst v0  }
0x28: {  	[tilespmem:$0x5040] =	vst v0  }
0x29: {  	[tilespmem:$0x5050] =	vst v0  }
0x2a: {  	[tilespmem:$0x5060] =	vst v0  }
0x2b: {  	[tilespmem:$0x5070] =	vst v0  }
0x2c: {  	[tilespmem:$0x5080] =	vst v1  }
0x2d: {  	[tilespmem:$0x5090] =	vst v1  }
0x2e: {  	[tilespmem:$0x50A0] =	vst v1  }
0x2f: {  	[tilespmem:$0x50B0] =	vst v1  }
0x30: {  	[tilespmem:$0x50C0] =	vst v1  }
0x31: {  	[tilespmem:$0x50D0] =	vst v1  }
0x32: {  	[tilespmem:$0x50E0] =	vst v1  }
0x33: {  	[tilespmem:$0x50F0] =	vst v1  }
0x34: {  	[tilespmem:$0x5100] =	vst v1  }
0x35: {  	[tilespmem:$0x5110] =	vst v1  }
0x36: {  	[tilespmem:$0x5120] =	vst v1  }
0x37: {  	[tilespmem:$0x5130] =	vst v1  }
0x38: {  	[tilespmem:$0x5140] =	vst v1  }
0x39: {  	[tilespmem:$0x5150] =	vst v1  }
0x3a: {  	[tilespmem:$0x5160] =	vst v1  }
0x3b: {  	[tilespmem:$0x5170] =	vst v1  }
0x3c: {  	[tilespmem:$0x5180] =	vst v1  }
0x3d: {  	[tilespmem:$0x5190] =	vst v1  }
0x3e: {  	[tilespmem:$0x51A0] =	vst v1  }
0x3f: {  	[tilespmem:$0x51B0] =	vst v1  }
0x40: {  	[tilespmem:$0x51C0] =	vst v1  }
0x41: {  	[tilespmem:$0x51D0] =	vst v1  }
0x42: {  	[tilespmem:$0x51E0] =	vst v1  }
0x43: {  	[tilespmem:$0x51F0] =	vst v1  }
0x44: {  	[tilespmem:$0x5200] =	vst v1  }
0x45: {  	[tilespmem:$0x5210] =	vst v1  }
0x46: {  	[tilespmem:$0x5220] =	vst v1  }
0x47: {  	[tilespmem:$0x5230] =	vst v1  }
0x48: {  	[tilespmem:$0x5240] =	vst v1  }
0x49: {  	[tilespmem:$0x5250] =	vst v1  }
0x4a: {  	[tilespmem:$0x5260] =	vst v1  }
0x4b: {  	[tilespmem:$0x5270] =	vst v1  }
0x4c: {  	[tilespmem:$0x5280] =	vst v1  }
0x4d: {  	[tilespmem:$0x5290] =	vst v1  }
0x4e: {  	[tilespmem:$0x52A0] =	vst v1  }
0x4f: {  	[tilespmem:$0x52B0] =	vst v1  }
0x50: {  	[tilespmem:$0x52C0] =	vst v1  }
0x51: {  	[tilespmem:$0x52D0] =	vst v1  }
0x52: {  	[tilespmem:$0x52E0] =	vst v1  }
0x53: {  	[tilespmem:$0x52F0] =	vst v1  }
0x54: {  	[spmem:s10] =	stream.linear.scatter [tilespmem:s16], [sflag:$0x2], $0x280, $0x38;
	[tilespmem:$0x5800] =	vst v63  }
0x55: {  	_ =	swait.ge [sflag:s17], $0x280  }
0x56: {  	[sflag:s17] =	ssyncset.done $0x0  }
0x57: {  	[sflag:s17] =	ssyncadd.s32 $0xFFFFFD80  }
0x58: {  	[spmem:s11] =	stream.linear.scatter [tilespmem:s16], [sflag:$0x2], $0x280, $0x38;
	[tilespmem:$0x5800] =	vst v63  }
0x59: {  	_ =	swait.ge [sflag:s17], $0x280  }
0x5a: {  	[sflag:s17] =	ssyncset.done $0x0  }
0x5b: {  	[sflag:s17] =	ssyncadd.s32 $0xFFFFFD80  }
0x5c: {  	s21 =	simm.s32 $0x0;
	[bflag:$0x0] =	sbarrier.arrive $0xFFFF  }
0x5d: {  	[spmem:s2] =	stream.indirect.scatter.add.f32 [tilespmem:s19], [sflag:$0x1], $0x1, s21, s18, $0xb8;
	[tilespmem:$0x5800] =	vst v63  }
0x5e: {  	s22 =	simm.s32 $0x2800  }
0x5f: {  	[spmem:s3] =	stream.indirect.scatter.add.f32 [tilespmem:s19], [sflag:$0x1], $0x1, s22, s18, $0xb8;
	[tilespmem:$0x5800] =	vst v63  }
0x60: {  	_ = 	snop  }
0x61: {  	[spmem:s2] =	stream.indirect.scatter.add.f32 [tilespmem:s19], [sflag:$0x1], $0x1, s18, s18, $0xb8;
	[tilespmem:$0x5800] =	vst v63  }
0x62: {  	s21 =	simm.s32 $0x2880  }
0x63: {  	[spmem:s3] =	stream.indirect.scatter.add.f32 [tilespmem:s19], [sflag:$0x1], $0x1, s21, s18, $0xb8;
	[tilespmem:$0x5800] =	vst v63  }
0x64: {  	s22 =	simm.s32 $0x100  }
0x65: {  	[spmem:s2] =	stream.indirect.scatter.add.f32 [tilespmem:s19], [sflag:$0x1], $0x1, s22, s18, $0xb8;
	[tilespmem:$0x5800] =	vst v63  }
0x66: {  	s21 =	simm.s32 $0x2900  }
0x67: {  	[spmem:s3] =	stream.indirect.scatter.add.f32 [tilespmem:s19], [sflag:$0x1], $0x1, s21, s18, $0xb8;
	[tilespmem:$0x5800] =	vst v63  }
0x68: {  	s22 =	simm.s32 $0x180  }
0x69: {  	[spmem:s2] =	stream.indirect.scatter.add.f32 [tilespmem:s19], [sflag:$0x1], $0x1, s22, s18, $0xb8;
	[tilespmem:$0x5800] =	vst v63  }
0x6a: {  	s21 =	simm.s32 $0x2980  }
0x6b: {  	[spmem:s3] =	stream.indirect.scatter.add.f32 [tilespmem:s19], [sflag:$0x1], $0x1, s21, s18, $0xb8;
	[tilespmem:$0x5800] =	vst v63  }
0x6c: {  	s22 =	simm.s32 $0x200  }
0x6d: {  	[spmem:s2] =	stream.indirect.scatter.add.f32 [tilespmem:s19], [sflag:$0x1], $0x1, s22, s18, $0xb8;
	[tilespmem:$0x5800] =	vst v63  }
0x6e: {  	s21 =	simm.s32 $0x2A00  }
0x6f: {  	[spmem:s3] =	stream.indirect.scatter.add.f32 [tilespmem:s19], [sflag:$0x1], $0x1, s21, s18, $0xb8;
	[tilespmem:$0x5800] =	vst v63  }
0x70: {  	s22 =	simm.s32 $0x280  }
0x71: {  	[spmem:s2] =	stream.indirect.scatter.add.f32 [tilespmem:s19], [sflag:$0x1], $0x1, s22, s18, $0xb8;
	[tilespmem:$0x5800] =	vst v63  }
0x72: {  	s21 =	simm.s32 $0x2A80  }
0x73: {  	[spmem:s3] =	stream.indirect.scatter.add.f32 [tilespmem:s19], [sflag:$0x1], $0x1, s21, s18, $0xb8;
	[tilespmem:$0x5800] =	vst v63  }
0x74: {  	s22 =	simm.s32 $0x300  }
0x75: {  	[spmem:s2] =	stream.indirect.scatter.add.f32 [tilespmem:s19], [sflag:$0x1], $0x1, s22, s18, $0xb8;
	[tilespmem:$0x5800] =	vst v63  }
0x76: {  	s21 =	simm.s32 $0x2B00  }
0x77: {  	[spmem:s3] =	stream.indirect.scatter.add.f32 [tilespmem:s19], [sflag:$0x1], $0x1, s21, s18, $0xb8;
	[tilespmem:$0x5800] =	vst v63  }
0x78: {  	s22 =	simm.s32 $0x380  }
0x79: {  	[spmem:s2] =	stream.indirect.scatter.add.f32 [tilespmem:s19], [sflag:$0x1], $0x1, s22, s18, $0xb8;
	[tilespmem:$0x5800] =	vst v63  }
0x7a: {  	s21 =	simm.s32 $0x2B80  }
0x7b: {  	[spmem:s3] =	stream.indirect.scatter.add.f32 [tilespmem:s19], [sflag:$0x1], $0x1, s21, s18, $0xb8;
	[tilespmem:$0x5800] =	vst v63  }
0x7c: {  	s22 =	simm.s32 $0x400  }
0x7d: {  	[spmem:s2] =	stream.indirect.scatter.add.f32 [tilespmem:s19], [sflag:$0x1], $0x1, s22, s18, $0xb8;
	[tilespmem:$0x5800] =	vst v63  }
0x7e: {  	s21 =	simm.s32 $0x2C00  }
0x7f: {  	[spmem:s3] =	stream.indirect.scatter.add.f32 [tilespmem:s19], [sflag:$0x1], $0x1, s21, s18, $0xb8;
	[tilespmem:$0x5800] =	vst v63  }
0x80: {  	s22 =	simm.s32 $0x480  }
0x81: {  	[spmem:s2] =	stream.indirect.scatter.add.f32 [tilespmem:s19], [sflag:$0x1], $0x1, s22, s18, $0xb8;
	[tilespmem:$0x5800] =	vst v63  }
0x82: {  	_ = 	snop  }
0x83: {  	[spmem:s3] =	stream.indirect.scatter.add.f32 [tilespmem:s19], [sflag:$0x1], $0x1, s23, s18, $0xb8;
	[tilespmem:$0x5800] =	vst v63  }
0x84: {  	_ = 	snop  }
0x85: {  	[spmem:s2] =	stream.indirect.scatter.add.f32 [tilespmem:s19], [sflag:$0x1], $0x1, s24, s18, $0xb8;
	[tilespmem:$0x5800] =	vst v63  }
0x86: {  	_ = 	snop  }
0x87: {  	[spmem:s3] =	stream.indirect.scatter.add.f32 [tilespmem:s19], [sflag:$0x1], $0x1, s25, s18, $0xb8;
	[tilespmem:$0x5800] =	vst v63  }
0x88: {  	_ = 	snop  }
0x89: {  	[spmem:s2] =	stream.indirect.scatter.add.f32 [tilespmem:s19], [sflag:$0x1], $0x1, s26, s18, $0xb8;
	[tilespmem:$0x5800] =	vst v63  }
0x8a: {  	_ = 	snop  }
0x8b: {  	[spmem:s3] =	stream.indirect.scatter.add.f32 [tilespmem:s19], [sflag:$0x1], $0x1, s28, s18, $0xb8;
	[tilespmem:$0x5800] =	vst v63  }
0x8c: {  	_ = 	snop  }
0x8d: {  	[spmem:s2] =	stream.indirect.scatter.add.f32 [tilespmem:s19], [sflag:$0x1], $0x1, s29, s18, $0xb8;
	[tilespmem:$0x5800] =	vst v63  }
0x8e: {  	_ = 	snop  }
0x8f: {  	[spmem:s3] =	stream.indirect.scatter.add.f32 [tilespmem:s19], [sflag:$0x1], $0x1, s30, s18, $0xb8;
	[tilespmem:$0x5800] =	vst v63  }
0x90: {  	_ = 	snop  }
0x91: {  	[spmem:s2] =	stream.indirect.scatter.add.f32 [tilespmem:s19], [sflag:$0x1], $0x1, s31, s18, $0xb8;
	[tilespmem:$0x5800] =	vst v63  }
0x92: {  	_ = 	snop  }
0x93: {  	[spmem:s3] =	stream.indirect.scatter.add.f32 [tilespmem:s19], [sflag:$0x1], $0x1, s0, s18, $0xb8;
	[tilespmem:$0x5800] =	vst v63  }
0x94: {  	s20 =	simm.s32 $0x700  }
0x95: {  	[spmem:s2] =	stream.indirect.scatter.add.f32 [tilespmem:s19], [sflag:$0x1], $0x1, s20, s18, $0xb8;
	[tilespmem:$0x5800] =	vst v63  }
0x96: {  	p1 =	sne.s32 s12, $0x1;
	s21 =	simm.s32 $0x2F00  }
0x97: {  	[spmem:s3] =	stream.indirect.scatter.add.f32 [tilespmem:s19], [sflag:$0x1], $0x1, s21, s18, $0xb8;
	[tilespmem:$0x5800] =	vst v63  }
.Ltmp0:
0x98: {  	_ =	swait.ge [sflag:s4], $0x80;
	(pc) =	sbr.rel @!p1 .LBB2_3-.Ltmp0, $4  }
0x99: {  	[sflag:s4] =	ssyncset.done $0x0  }
0x9a: {  	[sflag:s4] =	ssyncadd.s32 $0xFFFFFF80  }
0x9b: {  	_ =	swait.ge [sflag:s4], $0x80  }
0x9c: {  	s22 =	sadd.s32 $0xFFFFFFFF, s12;
	[sflag:s4] =	ssyncset.done $0x0  }
.LBB2_2:
0x9d: {  	[sflag:s4] =	ssyncadd.s32 $0xFFFFFF80;
	s20 =	sadd.s32 $0x80, s20;
	s21 =	sadd.s32 $0x80, s21  }
0x9e: {  	[spmem:s2] =	stream.indirect.scatter.add.f32 [tilespmem:s19], [sflag:$0x1], $0x1, s20, s18, $0xb8;
	[tilespmem:$0x5800] =	vst v63  }
0x9f: {  	p1 =	sne.s32 s22, $0x1;
	s22 =	sadd.s32 $0xFFFFFFFF, s22  }
0xa0: {  	[spmem:s3] =	stream.indirect.scatter.add.f32 [tilespmem:s19], [sflag:$0x1], $0x1, s21, s18, $0xb8;
	[tilespmem:$0x5800] =	vst v63  }
.Ltmp1:
0xa1: {  	_ =	swait.ge [sflag:s4], $0x80;
	(pc) =	sbr.rel @p1 .LBB2_2-.Ltmp1, $4  }
0xa2: {  	[sflag:s4] =	ssyncset.done $0x0  }
0xa3: {  	[sflag:s4] =	ssyncadd.s32 $0xFFFFFF80  }
0xa4: {  	_ =	swait.ge [sflag:s4], $0x80  }
0xa5: {  	[sflag:s4] =	ssyncset.done $0x0  }
.LBB2_3:
0xa6: {  	s20 =	sadd.s32 $0x1, s12  }
0xa7: {  	[sflag:s4] =	ssyncadd.s32 $0xFFFFFF80;
	p1 =	slt.u32 s20, s5  }
.Ltmp2:
0xa8: {  	_ =	swait.ge [sflag:s4], $0x80;
	(pc) =	sbr.rel @!p1 .LBB2_5-.Ltmp2, $4  }
0xa9: {  	[sflag:s4] =	ssyncset.done $0x0  }
0xaa: {  	[sflag:s4] =	ssyncadd.s32 $0xFFFFFF80  }
0xab: {  	_ =	swait.ge [sflag:s4], $0x80  }
0xac: {  	[sflag:s4] =	ssyncset.done $0x0  }
.LBB2_4:
0xad: {  	s20 =	sadd.s32 $0x1, s20  }
0xae: {  	[sflag:s4] =	ssyncadd.s32 $0xFFFFFF80;
	p1 =	slt.u32 s20, s5  }
.Ltmp3:
0xaf: {  	_ =	swait.ge [sflag:s4], $0x80;
	(pc) =	sbr.rel @p1 .LBB2_4-.Ltmp3, $4  }
0xb0: {  	[sflag:s4] =	ssyncset.done $0x0  }
0xb1: {  	[sflag:s4] =	ssyncadd.s32 $0xFFFFFF80  }
0xb2: {  	_ =	swait.ge [sflag:s4], $0x80  }
0xb3: {  	[sflag:s4] =	ssyncset.done $0x0  }
.LBB2_5:
0xb4: {  	s20 =	stileid.u32  }
0xb5: {  	[sflag:s4] =	ssyncadd.s32 $0xFFFFFF80;
	s20 =	sshll.u32 s20, $0x6  }
0xb6: {  	s21 =	sshrl.u32 s10, $0x3;
	[bflag:$0x0] =	sbarrier.arrive $0xFFFF;
	s20 =	sor.u32 $0x1C02, s20  }
0xb7: {  	[hbm:s13], [sflag:s20] =	dma.local [spmem:s21], $0x50  }
0xb8: {  	s1 =	sadd.s32 $0x1, s1;
	_ =	swait.ge [sflag:s17], $0x50  }
0xb9: {  	p1 =	sne.s32 s1, s15;
	[sflag:s17] =	ssyncset.done $0x0  }
.Ltmp4:
0xba: {  	s22 =	sshrl.u32 s11, $0x3;
	[sflag:s17] =	ssyncadd.s32 $0xFFFFFFB0;
	(pc) =	sbr.rel @p1 .LBB2_1-.Ltmp4, $4  }
0xbb: {  	[hbm:s14], [sflag:s20] =	dma.local [spmem:s22], $0x50  }
0xbc: {  	_ =	swait.ge [sflag:s17], $0x50  }
0xbd: {  	[sflag:s17] =	ssyncset.done $0x0  }
0xbe: {  	[sflag:s17] =	ssyncadd.s32 $0xFFFFFFB0  }
0xbf: {  	_ =	sfence.sel $0x180000  }
0xc0: {  	[bflag:$0x0] =	sbarrier.arrive $0xFFFF  }
0xc1: {  	_ =	strace $0x90000047  }
0xc2: {  	s0 =	stileid.u32;
	[bflag:$0x2] =	sbarrier.arrive $0xFFFF  }
0xc3: {  	p0 =	sne.s32 s0, $0x0;
	s0 =	rddreg [dreg:$0x3]  }
0xc4: {  	s0 =	sadd.s32 @!p0 $0x100000, s0  }
0xc5: {  	[sflag:s0] =	ssyncadd.tile.s32 @!p0 $0x1;
	_ =	shalt  }
.Lfunc_end2:
_tile_overlayer_lowered:
.L_overlay_start_2:
0xc6: {  	(tag) =	ssettag $0x2  }
0xc7: {  	s0 =	rddreg [dreg:$0x0];
	s2 =	stileid.u32  }
0xc8: {  	s1 =	rddreg [dreg:$0x1];
	p0 =	sne.s32 s2, $0x0  }
0xc9: {  	s3 =	rddreg [dreg:$0x2];
	[bflag:$0x3] =	sbarrier.arrive $0xFFFF;
	s2 =	simm.s32 @!p0 $0x1C02  }
0xca: {  	[timem:s3], [sflag:s2] =	dma.local @!p0 [hbm:s0], s1  }
0xcb: {  	s0 =	simm.s32 @!p0 $0x2  }
0xcc: {  	_ =	swait.ge @!p0 [sflag:s0], s1  }
0xcd: {  	s1 =	ssub.s32 @!p0 $0x0, s1;
	[sflag:s0] =	ssyncset.done @!p0 $0x0  }
0xce: {  	[sflag:s0] =	ssyncadd.s32 @!p0 s1  }
0xcf: {  	[bflag:$0x3] =	sbarrier.arrive $0xFFFF  }
0xd0: {  	_ =	shalt  }

// kernel: kernel.9.cloned.1.call-start
scs
__scs_entry_jumppad:
0x0: {  	(pc) =	sbr.rel $0x88, $3  }
0x1: {  	(tag) =	ssettag $0x0;
	lr =	simm.s32 $0x1  }
0x2: {  	[smem:$0x3F97] =	sst lr;
	_ =	strace $0xD0000000  }
0x3: {  	_ = 	snop  }
0x4: {  	_ = 	snop  }
0x5: {  	_ = 	snop  }
0x6: {  	_ = 	snop  }
0x7: {  	_ = 	snop  }
__scs_overlays_trampoline_lowered:
0x8: {  	[smem:$0x3FA6] =	sst s0  }
0x9: {  	[smem:$0x3FA7] =	sst s1  }
0xa: {  	[smem:$0x3FA8] =	sst s2  }
0xb: {  	[smem:$0x3FA9] =	sst s3  }
0xc: {  	[smem:$0x3FAA] =	sst s4  }
0xd: {  	[smem:$0x3FAB] =	sst s5  }
0xe: {  	[smem:$0x3FAC] =	sst s6  }
0xf: {  	[smem:$0x3FAD] =	sst s7  }
0x10: {  	[smem:$0x3FAE] =	sst s8  }
0x11: {  	[smem:$0x3FAF] =	sst s9;
	s0 =	simm.s32 @!p0 $0x0  }
0x12: {  	s1 =	sld [smem:$0x3F95];
	s0 =	simm.s32 @p0 $0x1  }
0x13: {  	[smem:$0x3FB0] =	sst s0;
	s0 =	simm.s32 @!p1 $0x0  }
0x14: {  	s2 =	sld [smem:$0x3F94];
	s0 =	simm.s32 @p1 $0x1  }
0x15: {  	[smem:$0x3FB1] =	sst s0;
	s0 =	simm.s32 @!p2 $0x0  }
0x16: {  	s3 =	sld [smem:$0x3FDB];
	s0 =	simm.s32 @p2 $0x1  }
0x17: {  	s4 =	simm.s32 $0x1BF5;
	[smem:$0x3FB3] =	sst s0  }
0x18: {  	s0 =	sld [smem:$0x3F96];
	_ =	swait.ge [sflag:s4], $0x0  }
0x19: {  	s7 =	sld [smem:$0x3F97]  }
0x1a: {  	s8 =	sadd.s32 $0xFFFFE003, lr  }
0x1b: {  	s9 =	sadd.s32 $0xFFFFFEF7, lr;
	s5 =	simm.s32 $0xFFFFFFFF;
	p2 =	slt.u32 s8, $0xFFFFF086  }
0x1c: {  	p1 =	slt.u32 s9, $0xF7A;
	s5 =	simm.s32 @!p2 $0x0  }
0x1d: {  	s5 =	simm.s32 @p1 $0x1;
	p0 =	seq.s32 s7, s2  }
0x1e: {  	s7 =	smul.u32 @!p0 $0xF7A, s2;
	p2 =	seq.s32 @!p0 s5, $0x0  }
0x1f: {  	s9 =	smul.u32 $0xF7A, s1;
	s8 =	simm.s32 @!p0 $0x1BF5;
	p2 =	por !p2, p0  }
0x20: {  	[sflag:s8] =	ssyncset.s32 @!p0 $0xFFFFF086;
	s6 =	sadd.s32 @!p0 s3, s7;
	s7 =	simm.s32 @!p0 $0x108  }
0x21: {  	s3 =	sadd.s32 s3, s9;
	s6 =	sadd.s32 @!p0 $0x88, s6;
	s7 =	simm.s32 @p2 $0x1082  }
0x22: {  	[simem:s7], [sflag:s8] =	dma.local @!p0 [hbm:s6], $0xF7A  }
0x23: {  	s9 =	sor.u32 $0xD0000000, s2;
	s6 =	simm.s32 $0x108;
	_ =	swait.ge @!p0 [sflag:s8], $0x0  }
0x24: {  	s3 =	sadd.s32 $0x88, s3;
	s6 =	simm.s32 @!p1 $0x1082;
	[sflag:s4] =	ssyncset.s32 $0xFFFFF086  }
0x25: {  	[simem:s6], [sflag:s4] =	dma.local [hbm:s3], $0xF7A  }
0x26: {  	[smem:$0x3F97] =	sst s1;
	(tag) =	ssettag s2;
	_ =	strace s9  }
0x27: {  	s1 =	sld [smem:$0x3FA7]  }
0x28: {  	s2 =	sld [smem:$0x3FA8]  }
0x29: {  	s4 =	sld [smem:$0x3FAA]  }
0x2a: {  	p0 =	seq.s32 s5, $0x0;
	s5 =	sld [smem:$0x3FAB]  }
0x2b: {  	s6 =	sld [smem:$0x3FAC]  }
0x2c: {  	s7 =	sld [smem:$0x3FAD]  }
0x2d: {  	s3 =	simm.s32 $0x108;
	s8 =	sld [smem:$0x3FAE]  }
0x2e: {  	s3 =	simm.s32 @!p0 $0x1082;
	s9 =	sld [smem:$0x3FAF]  }
0x2f: {  	lr =	sadd.s32 s0, s3;
	s0 =	sld [smem:$0x3FA6]  }
0x30: {  	s3 =	sld [smem:$0x3FA9]  }
0x31: {  	[smem:$0x3FB2] =	sst s10  }
0x32: {  	s10 =	sld [smem:$0x3FB0];
	_ =	sdelay $0x3  }
0x33: {  	p0 =	seq.s32 s10, $0x1;
	s10 =	sld [smem:$0x3FB2];
	_ =	sdelay $0x3  }
0x34: {  	[smem:$0x3FB2] =	sst s10  }
0x35: {  	s10 =	sld [smem:$0x3FB1];
	_ =	sdelay $0x3  }
0x36: {  	p1 =	seq.s32 s10, $0x1;
	s10 =	sld [smem:$0x3FB2];
	_ =	sdelay $0x3  }
0x37: {  	[smem:$0x3FB2] =	sst s10  }
0x38: {  	s10 =	sld [smem:$0x3FB3]  }
0x39: {  	_ = 	snop;
	(pc) =	sbr.ind lr, $3  }
0x3a: {  	_ = 	snop  }
0x3b: {  	_ = 	snop  }
0x3c: {  	p2 =	seq.s32 s10, $0x1;
	s10 =	sld [smem:$0x3FB2]  }
0x3d: {  	_ =	shalt  }
0x3e: {  	_ =	shalt  }
0x3f: {  	_ =	shalt  }
0x40: {  	_ =	shalt  }
0x41: {  	_ =	shalt  }
0x42: {  	_ =	shalt  }
0x43: {  	_ =	shalt  }
0x44: {  	_ =	shalt  }
0x45: {  	_ =	shalt  }
0x46: {  	_ =	shalt  }
0x47: {  	_ =	shalt  }
0x48: {  	_ =	shalt  }
0x49: {  	_ =	shalt  }
0x4a: {  	_ =	shalt  }
0x4b: {  	_ =	shalt  }
0x4c: {  	_ =	shalt  }
0x4d: {  	_ =	shalt  }
0x4e: {  	_ =	shalt  }
0x4f: {  	_ =	shalt  }
0x50: {  	_ =	shalt  }
0x51: {  	_ =	shalt  }
0x52: {  	_ =	shalt  }
0x53: {  	_ =	shalt  }
0x54: {  	_ =	shalt  }
0x55: {  	_ =	shalt  }
0x56: {  	_ =	shalt  }
0x57: {  	_ =	shalt  }
0x58: {  	_ =	shalt  }
0x59: {  	_ =	shalt  }
0x5a: {  	_ =	shalt  }
0x5b: {  	_ =	shalt  }
0x5c: {  	_ =	shalt  }
0x5d: {  	_ =	shalt  }
0x5e: {  	_ =	shalt  }
0x5f: {  	_ =	shalt  }
0x60: {  	_ =	shalt  }
0x61: {  	_ =	shalt  }
0x62: {  	_ =	shalt  }
0x63: {  	_ =	shalt  }
0x64: {  	_ =	shalt  }
0x65: {  	_ =	shalt  }
0x66: {  	_ =	shalt  }
0x67: {  	_ =	shalt  }
0x68: {  	_ =	shalt  }
0x69: {  	_ =	shalt  }
0x6a: {  	_ =	shalt  }
0x6b: {  	_ =	shalt  }
0x6c: {  	_ =	shalt  }
0x6d: {  	_ =	shalt  }
0x6e: {  	_ =	shalt  }
0x6f: {  	_ =	shalt  }
0x70: {  	_ =	shalt  }
0x71: {  	_ =	shalt  }
0x72: {  	_ =	shalt  }
0x73: {  	_ =	shalt  }
0x74: {  	_ =	shalt  }
0x75: {  	_ =	shalt  }
0x76: {  	_ =	shalt  }
0x77: {  	_ =	shalt  }
0x78: {  	_ =	shalt  }
0x79: {  	_ =	shalt  }
0x7a: {  	_ =	shalt  }
0x7b: {  	_ =	shalt  }
0x7c: {  	_ =	shalt  }
0x7d: {  	_ =	shalt  }
0x7e: {  	_ =	shalt  }
0x7f: {  	_ =	shalt  }
0x80: {  	_ =	shalt  }
0x81: {  	_ =	shalt  }
0x82: {  	_ =	shalt  }
0x83: {  	_ =	shalt  }
0x84: {  	_ =	shalt  }
0x85: {  	_ =	shalt  }
0x86: {  	_ =	shalt  }
0x87: {  	_ =	shalt  }
.Lfunc_end0:
.L_simem_size_0:
called_computation.1_lowered:
.L_overlay_start_0:
0x88: {  	s2 =	sld [smem:$0x3FD9]  }
0x89: {  	s3 =	sld [smem:$0x3FFE];
	_ =	sdelay $0x1  }
0x8a: {  	s1 =	srdreg.scid  }
0x8b: {  	s0 =	sand.u32 $0x1, s1  }
0x8c: {  	s16 =	sshll.u32 s0, $0xA;
	s2 =	sadd.s32 s3, s2  }
0x8d: {  	s2 =	sadd.s32 s2, s16  }
0x8e: {  	[smem:$0x3FBE] =	sst s2  }
0x8f: {  	_ = 	snop  }
0x90: {  	(tm) =	ssettm $0x1  }
0x91: {  	s17 =	sld [smem:$0x3FFB];
	_ =	sdelay $0x3  }
0x92: {  	_ =	strace s17  }
0x93: {  	s2 =	sld [smem:$0x3FFC];
	_ =	sdelay $0x3  }
0x94: {  	_ =	strace s2  }
0x95: {  	s2 =	sld [smem:$0x3FFD];
	_ =	sdelay $0x3  }
0x96: {  	_ =	strace s2  }
0x97: {  	_ =	strace $0x8FFFFFFF  }
0x98: {  	s18 =	sld [smem:$0x3FDB];
	_ =	sdelay $0x1  }
0x99: {  	s19 =	simm.s32 $_scs_section_size  }
0x9a: {  	s4 =	simm.s32 $_size__tile_overlayer_lowered;
	s5 =	simm.s32 $_tile_overlayer_lowered  }
0x9b: {  	s22 =	simm.s32 $0x1BFF;
	s21 =	sshll.u32 s5, $0x1;
	s2 =	sadd.s32 s19, s18  }
0x9c: {  	s6 =	simm.s32 $0x0;
	s20 =	sshll.u32 s4, $0x1;
	s4 =	sadd.s32 s21, s2  }
0x9d: {  	[timem:s6], [sflag:s22] =	dma.local [hbm:s4], s20  }
0x9e: {  	_ =	swait.ge [sflag:s22], s20  }
0x9f: {  	s3 =	ssub.s32 $0x0, s20;
	[sflag:s22] =	ssyncset.done $0x0  }
0xa0: {  	[sflag:s22] =	ssyncadd.s32 s3;
	_ =	sdelay $0x1  }
0xa1: {  	s23 =	simm.s32 $0x1B8B  }
0xa2: {  	_ =	swait.ge [sflag:s23], $0x1  }
0xa3: {  	[sflag:s23] =	ssyncset.done $0x0  }
0xa4: {  	s25 =	simm.s32 $0x1B8E;
	s24 =	sld [smem:$0x3FFE];
	[sflag:s23] =	ssyncadd.s32 $0xFFFFFFFF  }
0xa5: {  	s26 =	simm.s32 $execute0_lowered;
	[smem:$0x3FD2] =	sst s25  }
0xa6: {  	s4 =	sshll.u32 s26, $0x1;
	_ =	strace $0x80000049;
	[dreg:$0x1] =	wrdreg $0xFFFFFFFF  }
0xa7: {  	s28 =	simm.s32 $_size_execute0_lowered;
	s2 =	sadd.s32 s2, s4;
	[dreg:$0x0] =	wrdreg $0x0  }
0xa8: {  	s4 =	sshll.u32 s28, $0x1;
	[dreg:$0x2] =	wrdreg s2  }
0xa9: {  	[dreg:$0x3] =	wrdreg s4  }
0xaa: {  	[dreg:$0x4] =	wrdreg $0xC0  }
0xab: {  	_ =	task [dreg:s6], $0x5FFFF  }
0xac: {  	[dreg:$0x1] =	wrdreg $0xFFFFFFFF  }
0xad: {  	[dreg:$0x0] =	wrdreg $0x60  }
0xae: {  	[dreg:$0x2] =	wrdreg s24  }
0xaf: {  	[dreg:$0x3] =	wrdreg $0xF2800  }
0xb0: {  	[dreg:$0x4] =	wrdreg $0xF5000  }
0xb1: {  	[dreg:$0x5] =	wrdreg $0x9  }
0xb2: {  	_ =	task.clear_ibuf [dreg:s6], $0x6FFFF;
	_ =	strace $0x90000049  }
0xb3: {  	s29 =	simm.s32 $0x9;
	_ =	strace $0x8000004B  }
0xb4: {  	_ =	swait.ge [sflag:s29], $0x1  }
0xb5: {  	[sflag:s29] =	ssyncadd.s32 $0xFFFFFFFF  }
0xb6: {  	_ =	strace $0x9000004B  }
0xb7: {  	_ =	sfence  }
0xb8: {  	s30 =	sld [smem:$0x0];
	_ =	sdelay $0x2  }
0xb9: {  	s31 =	sshll.u32 s1, $0xD;
	s1 =	sshrl.u32 s1, $0x2  }
0xba: {  	s3 =	sand.u32 $0x4000, s31;
	s1 =	sadd.s32 s1, s30  }
0xbb: {  	s0 =	sor.u32 s3, s0;
	s1 =	sshll.u32 s1, $0x11  }
0xbc: {  	s0 =	sor.u32 s1, s0  }
0xbd: {  	s0 =	sadd.s32 $0x8F2B, s0  }
0xbe: {  	[sflag:s0] =	ssyncadd.remote.s32 $0x1  }
0xbf: {  	_ =	sfence.sel $0xFFFF  }
0xc0: {  	[dreg:$0x0] =	wrdreg $0xFFFFFFFF;
	(pc) =	sbr.abs _section_cstart, $3  }
0xc1: {  	[dreg:$0x1] =	wrdreg $0xFFFFFFFF  }
0xc2: {  	_ =	task.clear_ibuf [dreg:s6], $0x2FFFF;
	_ =	strace $0x9FFFFFFF  }
0xc3: {  	(tm) =	ssettm $0x7FFFFFFF  }
tec
execute0_lowered:
.L_overlay_start_1:
0x0: {  	(tag) =	ssettag $0x1  }
0x1: {  	s11 =	rddreg [dreg:$0x0]  }
0x2: {  	s1 =	srdreg.scid;
	s2 =	rddreg [dreg:$0x1]  }
0x3: {  	s0 =	stileid.u32;
	s3 =	rddreg [dreg:$0x2]  }
0x4: {  	s4 =	simm.s32 $0x0;
	s18 =	simm.s32 $0x5000;
	s19 =	simm.s32 $0x2  }
0x5: {  	s20 =	simm.s32 $0x7800;
	s21 =	simm.s32 $0xF000;
	s22 =	simm.s32 $0x80  }
0x6: {  	s23 =	simm.s32 $0x1;
	s24 =	simm.s32 $0x0;
	s6 =	sand.u32 $0x1, s1  }
0x7: {  	s31 =	sshll.u32 s0, $0x1;
	s13 =	smul.u32 $0x280, s0;
	s1 =	rddreg [dreg:$0x3]  }
0x8: {  	[smem:$0x7FF] =	sst s4;
	s7 =	sor.u32 s6, s31;
	s8 =	smul.u32 $0x5000, s6  }
0x9: {  	_ =	strace $0x8000004A;
	s10 =	ssub.s32 $0x2, s6;
	s6 =	simm.s32 $0x14  }
0xa: {  	s5 =	smul.u32 $0x500, s7;
	s12 =	sshrl.u32 s10, $0x1;
	p0 =	seq.s32 s7, $0x1F  }
0xb: {  	s8 =	sadd.s32 s13, s8;
	s17 =	ssub.s32 s10, s12;
	s6 =	simm.s32 @!p0 $0x50  }
0xc: {  	s10 =	sadd.s32 $0xA700, s11;
	s12 =	sadd.s32 s13, s2;
	s13 =	sadd.s32 s13, s3  }
0xd: {  	s9 =	sadd.s32 s5, s11;
	s5 =	sadd.s32 $0x14800, s11;
	s8 =	sshrl.u32 s8, $0x3  }
0xe: {  	s14 =	sadd.s32 $0xFFFFFFF2, s6;
	s17 =	smax.u32 s17, $0x1;
	s16 =	sadd.s32 s8, s11  }
0xf: {  	s7 =	sadd.s32 $0xAA00, s9;
	s8 =	sadd.s32 $0xC00, s9;
	s9 =	sadd.s32 $0x14500, s11  }
0x10: {  	v0 =	vimm.f32 $0.0e+00;
	s11 =	sadd.s32 $0x14D00, s11;
	s15 =	sadd.s32 $0x15200, s16;
	s16 =	sadd.s32 $0x15700, s16  }
.LBB2_1:
0x11: {  	s25 =	simm.s32 @p0 $0x0;
	s26 =	simm.s32 @p0 $0x2  }
0x12: {  	[tilespmem:s25], [sflag:$0x2] =	stream.linear.gather @p0 [hbm4b:s9+s25], $0xA00, $0x38;
	[tilespmem:$0xF780] =	vst v63  }
0x13: {  	_ =	swait.ge @p0 [sflag:s26], $0xA00  }
0x14: {  	[sflag:s26] =	ssyncset.done @p0 $0x0  }
0x15: {  	s28 =	simm.s32 @p0 $0x2800;
	[sflag:s26] =	ssyncadd.s32 @p0 $0xFFFFF600  }
0x16: {  	[tilespmem:s28], [sflag:$0x2] =	stream.linear.gather @p0 [hbm4b:s10+s25], $0xA00, $0x38;
	[tilespmem:$0xF780] =	vst v63  }
0x17: {  	_ =	swait.ge @p0 [sflag:s26], $0xA00  }
0x18: {  	[sflag:s26] =	ssyncset.done @p0 $0x0  }
0x19: {  	s25 =	simm.s32 @!p0 $0x0;
	[sflag:s26] =	ssyncadd.s32 @p0 $0xFFFFF600;
	s26 =	simm.s32 @!p0 $0x2  }
0x1a: {  	[tilespmem:s25], [sflag:$0x2] =	stream.linear.gather @!p0 [hbm4b:s7+s25], $0x2800, $0x38;
	[tilespmem:$0xF780] =	vst v63  }
0x1b: {  	_ =	swait.ge @!p0 [sflag:s26], $0x2800  }
0x1c: {  	[sflag:s26] =	ssyncset.done @!p0 $0x0  }
0x1d: {  	s28 =	simm.s32 @!p0 $0x2800;
	[sflag:s26] =	ssyncadd.s32 @!p0 $0xFFFFD800  }
0x1e: {  	[tilespmem:s28], [sflag:$0x2] =	stream.linear.gather @!p0 [hbm4b:s8+s25], $0x2800, $0x38;
	[tilespmem:$0xF780] =	vst v63  }
0x1f: {  	_ =	swait.ge @!p0 [sflag:s26], $0x2800  }
0x20: {  	[sflag:s26] =	ssyncset.done @!p0 $0x0  }
0x21: {  	[sflag:s26] =	ssyncadd.s32 @!p0 $0xFFFFD800  }
0x22: {  	[tilespmem:s18], [sflag:$0x2] =	stream.linear.gather [hbm4b:s5+s4], $0x2800, $0x38;
	[tilespmem:$0xF780] =	vst v63  }
0x23: {  	_ =	swait.ge [sflag:s19], $0x2800  }
0x24: {  	[sflag:s19] =	ssyncset.done $0x0  }
0x25: {  	[sflag:s19] =	ssyncadd.s32 $0xFFFFD800  }
0x26: {  	[tilespmem:s20], [sflag:$0x2] =	stream.linear.gather [hbm4b:s11+s4], $0x2800, $0x38;
	[tilespmem:$0xF780] =	vst v63  }
0x27: {  	_ =	swait.ge [sflag:s19], $0x2800  }
0x28: {  	[sflag:s19] =	ssyncset.done $0x0  }
0x29: {  	[sflag:s19] =	ssyncadd.s32 $0xFFFFD800  }
0x2a: {  	[tilespmem:$0xF000] =	vst v0  }
0x2b: {  	[tilespmem:$0xF010] =	vst v0  }
0x2c: {  	[tilespmem:$0xF020] =	vst v0  }
0x2d: {  	[tilespmem:$0xF030] =	vst v0  }
0x2e: {  	[tilespmem:$0xF040] =	vst v0  }
0x2f: {  	[tilespmem:$0xF050] =	vst v0  }
0x30: {  	[tilespmem:$0xF060] =	vst v0  }
0x31: {  	[tilespmem:$0xF070] =	vst v0  }
0x32: {  	[tilespmem:$0xF080] =	vst v0  }
0x33: {  	[tilespmem:$0xF090] =	vst v0  }
0x34: {  	[tilespmem:$0xF0A0] =	vst v0  }
0x35: {  	[tilespmem:$0xF0B0] =	vst v0  }
0x36: {  	[tilespmem:$0xF0C0] =	vst v0  }
0x37: {  	[tilespmem:$0xF0D0] =	vst v0  }
0x38: {  	[tilespmem:$0xF0E0] =	vst v0  }
0x39: {  	[tilespmem:$0xF0F0] =	vst v0  }
0x3a: {  	[tilespmem:$0xF100] =	vst v0  }
0x3b: {  	[tilespmem:$0xF110] =	vst v0  }
0x3c: {  	[tilespmem:$0xF120] =	vst v0  }
0x3d: {  	[tilespmem:$0xF130] =	vst v0  }
0x3e: {  	[tilespmem:$0xF140] =	vst v0  }
0x3f: {  	[tilespmem:$0xF150] =	vst v0  }
0x40: {  	[tilespmem:$0xF160] =	vst v0  }
0x41: {  	[tilespmem:$0xF170] =	vst v0  }
0x42: {  	[tilespmem:$0xF180] =	vst v0  }
0x43: {  	[tilespmem:$0xF190] =	vst v0  }
0x44: {  	[tilespmem:$0xF1A0] =	vst v0  }
0x45: {  	[tilespmem:$0xF1B0] =	vst v0  }
0x46: {  	[tilespmem:$0xF1C0] =	vst v0  }
0x47: {  	[tilespmem:$0xF1D0] =	vst v0  }
0x48: {  	[tilespmem:$0xF1E0] =	vst v0  }
0x49: {  	[tilespmem:$0xF1F0] =	vst v0  }
0x4a: {  	[tilespmem:$0xF200] =	vst v0  }
0x4b: {  	[tilespmem:$0xF210] =	vst v0  }
0x4c: {  	[tilespmem:$0xF220] =	vst v0  }
0x4d: {  	[tilespmem:$0xF230] =	vst v0  }
0x4e: {  	[tilespmem:$0xF240] =	vst v0  }
0x4f: {  	[tilespmem:$0xF250] =	vst v0  }
0x50: {  	[tilespmem:$0xF260] =	vst v0  }
0x51: {  	[tilespmem:$0xF270] =	vst v0  }
0x52: {  	[spmem:s12] =	stream.linear.scatter [tilespmem:s21], [sflag:$0x2], $0x280, $0x38;
	[tilespmem:$0xF780] =	vst v63  }
0x53: {  	_ =	swait.ge [sflag:s19], $0x280  }
0x54: {  	[sflag:s19] =	ssyncset.done $0x0  }
0x55: {  	[sflag:s19] =	ssyncadd.s32 $0xFFFFFD80  }
0x56: {  	[spmem:s13] =	stream.linear.scatter [tilespmem:s21], [sflag:$0x2], $0x280, $0x38;
	[tilespmem:$0xF780] =	vst v63  }
0x57: {  	_ =	swait.ge [sflag:s19], $0x280  }
0x58: {  	[sflag:s19] =	ssyncset.done $0x0  }
0x59: {  	[sflag:s19] =	ssyncadd.s32 $0xFFFFFD80  }
0x5a: {  	s25 =	simm.s32 $0x0;
	[bflag:$0x0] =	sbarrier.arrive $0xFFFF  }
0x5b: {  	s26 =	simm.s32 $0x200;
	v1 =	vld [tilespmem:s25+$0x0]  }
.LBB2_2:
0x5c: {  	p1 =	sne.s32 s26, $0x1A00;
	_ =	sdelay $0x6  }
0x5d: {  	v2 =	vld.idx.msk [tilespmem:v1+s18+$0x0], $0xffff;
	_ =	sdelay $0x5  }
0x5e: {  	[tilespmem:s25+$0xA000] =	vst v2;
	v2 =	vld [tilespmem:s25+$0x10]  }
0x5f: {  	v1 =	vld.idx.msk [tilespmem:v1+s20+$0x0], $0xffff;
	_ =	sdelay $0x5  }
0x60: {  	[tilespmem:s25+$0xC800] =	vst v1  }
0x61: {  	v1 =	vld.idx.msk [tilespmem:v2+s18+$0x0], $0xffff;
	_ =	sdelay $0x5  }
0x62: {  	[tilespmem:s25+$0xA010] =	vst v1;
	v1 =	vld [tilespmem:s25+$0x20]  }
0x63: {  	v2 =	vld.idx.msk [tilespmem:v2+s20+$0x0], $0xffff;
	_ =	sdelay $0x5  }
0x64: {  	[tilespmem:s25+$0xC810] =	vst v2  }
0x65: {  	v2 =	vld.idx.msk [tilespmem:v1+s18+$0x0], $0xffff;
	_ =	sdelay $0x5  }
0x66: {  	[tilespmem:s25+$0xA020] =	vst v2;
	v2 =	vld [tilespmem:s25+$0x30]  }
0x67: {  	v1 =	vld.idx.msk [tilespmem:v1+s20+$0x0], $0xffff;
	_ =	sdelay $0x5  }
0x68: {  	[tilespmem:s25+$0xC820] =	vst v1  }
0x69: {  	v1 =	vld.idx.msk [tilespmem:v2+s18+$0x0], $0xffff;
	_ =	sdelay $0x5  }
0x6a: {  	[tilespmem:s25+$0xA030] =	vst v1;
	v1 =	vld [tilespmem:s25+$0x40]  }
0x6b: {  	v2 =	vld.idx.msk [tilespmem:v2+s20+$0x0], $0xffff;
	_ =	sdelay $0x5  }
0x6c: {  	[tilespmem:s25+$0xC830] =	vst v2  }
0x6d: {  	v2 =	vld.idx.msk [tilespmem:v1+s18+$0x0], $0xffff;
	_ =	sdelay $0x5  }
0x6e: {  	[tilespmem:s25+$0xA040] =	vst v2;
	v2 =	vld [tilespmem:s25+$0x50]  }
0x6f: {  	v1 =	vld.idx.msk [tilespmem:v1+s20+$0x0], $0xffff;
	_ =	sdelay $0x5  }
0x70: {  	[tilespmem:s25+$0xC840] =	vst v1  }
0x71: {  	v1 =	vld.idx.msk [tilespmem:v2+s18+$0x0], $0xffff;
	_ =	sdelay $0x5  }
0x72: {  	[tilespmem:s25+$0xA050] =	vst v1;
	v1 =	vld [tilespmem:s25+$0x60]  }
0x73: {  	v2 =	vld.idx.msk [tilespmem:v2+s20+$0x0], $0xffff;
	_ =	sdelay $0x5  }
0x74: {  	[tilespmem:s25+$0xC850] =	vst v2  }
0x75: {  	v2 =	vld.idx.msk [tilespmem:v1+s18+$0x0], $0xffff;
	_ =	sdelay $0x5  }
0x76: {  	[tilespmem:s25+$0xA060] =	vst v2;
	v2 =	vld [tilespmem:s25+$0x70]  }
0x77: {  	v1 =	vld.idx.msk [tilespmem:v1+s20+$0x0], $0xffff;
	_ =	sdelay $0x5  }
0x78: {  	[tilespmem:s25+$0xC860] =	vst v1  }
0x79: {  	v1 =	vld.idx.msk [tilespmem:v2+s18+$0x0], $0xffff;
	_ =	sdelay $0x5  }
0x7a: {  	[tilespmem:s25+$0xA070] =	vst v1  }
0x7b: {  	v1 =	vld.idx.msk [tilespmem:v2+s20+$0x0], $0xffff;
	_ =	sdelay $0x4  }
.Ltmp0:
0x7c: {  	s28 =	sadd.s32 $0xA000, s25;
	s29 =	sadd.s32 $0x2800, s25;
	(pc) =	sbr.rel @p1 .LBB2_2-.Ltmp0, $4  }
0x7d: {  	[tilespmem:s25+$0xC870] =	vst v1;
	[spmem:s2] =	stream.indirect.scatter.add.f32 [tilespmem:s28], [sflag:$0x1], $0x1, s29, s22, $0xb8  }
0x7e: {  	s28 =	sadd.s32 $0xC800, s25;
	s25 =	sshra.s32 s26, $0x2  }
0x7f: {  	[spmem:s3] =	stream.indirect.scatter.add.f32 [tilespmem:s28], [sflag:$0x1], $0x1, s29, s22, $0xb8;
	[tilespmem:$0xF780] =	vst v63  }
0x80: {  	s26 =	sadd.s32 $0x200, s26;
	v1 =	vld [tilespmem:s25+$0x0]  }
0x81: {  	_ =	sdelay $0x7  }
0x82: {  	v2 =	vld.idx.msk [tilespmem:v1+s18+$0x0], $0xffff;
	_ =	sdelay $0x4  }
0x83: {  	[tilespmem:s25+$0xA000] =	vst v2;
	v2 =	vld [tilespmem:s25+$0x10];
	_ =	sdelay $0x1  }
0x84: {  	v1 =	vld.idx.msk [tilespmem:v1+s20+$0x0], $0xffff;
	_ =	sdelay $0x4  }
0x85: {  	[tilespmem:s25+$0xC800] =	vst v1  }
0x86: {  	v1 =	vld.idx.msk [tilespmem:v2+s18+$0x0], $0xffff;
	_ =	sdelay $0x4  }
0x87: {  	[tilespmem:s25+$0xA010] =	vst v1;
	v1 =	vld [tilespmem:s25+$0x20];
	_ =	sdelay $0x1  }
0x88: {  	v2 =	vld.idx.msk [tilespmem:v2+s20+$0x0], $0xffff;
	_ =	sdelay $0x4  }
0x89: {  	[tilespmem:s25+$0xC810] =	vst v2  }
0x8a: {  	v2 =	vld.idx.msk [tilespmem:v1+s18+$0x0], $0xffff;
	_ =	sdelay $0x4  }
0x8b: {  	[tilespmem:s25+$0xA020] =	vst v2;
	v2 =	vld [tilespmem:s25+$0x30];
	_ =	sdelay $0x1  }
0x8c: {  	v1 =	vld.idx.msk [tilespmem:v1+s20+$0x0], $0xffff;
	_ =	sdelay $0x4  }
0x8d: {  	[tilespmem:s25+$0xC820] =	vst v1  }
0x8e: {  	v1 =	vld.idx.msk [tilespmem:v2+s18+$0x0], $0xffff;
	_ =	sdelay $0x4  }
0x8f: {  	[tilespmem:s25+$0xA030] =	vst v1;
	v1 =	vld [tilespmem:s25+$0x40];
	_ =	sdelay $0x1  }
0x90: {  	v2 =	vld.idx.msk [tilespmem:v2+s20+$0x0], $0xffff;
	_ =	sdelay $0x4  }
0x91: {  	[tilespmem:s25+$0xC830] =	vst v2  }
0x92: {  	v2 =	vld.idx.msk [tilespmem:v1+s18+$0x0], $0xffff;
	_ =	sdelay $0x4  }
0x93: {  	[tilespmem:s25+$0xA040] =	vst v2;
	v2 =	vld [tilespmem:s25+$0x50];
	_ =	sdelay $0x1  }
0x94: {  	v1 =	vld.idx.msk [tilespmem:v1+s20+$0x0], $0xffff;
	_ =	sdelay $0x4  }
0x95: {  	[tilespmem:s25+$0xC840] =	vst v1  }
0x96: {  	v1 =	vld.idx.msk [tilespmem:v2+s18+$0x0], $0xffff;
	_ =	sdelay $0x4  }
0x97: {  	[tilespmem:s25+$0xA050] =	vst v1;
	v1 =	vld [tilespmem:s25+$0x60];
	_ =	sdelay $0x1  }
0x98: {  	v2 =	vld.idx.msk [tilespmem:v2+s20+$0x0], $0xffff;
	_ =	sdelay $0x4  }
0x99: {  	[tilespmem:s25+$0xC850] =	vst v2  }
0x9a: {  	v2 =	vld.idx.msk [tilespmem:v1+s18+$0x0], $0xffff;
	_ =	sdelay $0x4  }
0x9b: {  	[tilespmem:s25+$0xA060] =	vst v2;
	v2 =	vld [tilespmem:s25+$0x70];
	_ =	sdelay $0x1  }
0x9c: {  	v1 =	vld.idx.msk [tilespmem:v1+s20+$0x0], $0xffff;
	_ =	sdelay $0x4  }
0x9d: {  	[tilespmem:s25+$0xC860] =	vst v1  }
0x9e: {  	v1 =	vld.idx.msk [tilespmem:v2+s18+$0x0], $0xffff;
	_ =	sdelay $0x4  }
0x9f: {  	[tilespmem:s25+$0xA070] =	vst v1  }
0xa0: {  	v1 =	vld.idx.msk [tilespmem:v2+s20+$0x0], $0xffff;
	_ =	sdelay $0x4  }
0xa1: {  	s26 =	sadd.s32 $0xA000, s25;
	s28 =	sadd.s32 $0x2800, s25;
	[tilespmem:s25+$0xC870] =	vst v1  }
0xa2: {  	[spmem:s2] =	stream.indirect.scatter.add.f32 [tilespmem:s26], [sflag:$0x1], $0x1, s28, s22, $0xb8;
	[tilespmem:$0xF780] =	vst v63  }
0xa3: {  	s31 =	sadd.s32 $0xC800, s25;
	s29 =	simm.s32 $0x770;
	s30 =	smov.u32 s14  }
0xa4: {  	[spmem:s3] =	stream.indirect.scatter.add.f32 [tilespmem:s31], [sflag:$0x1], $0x1, s28, s22, $0xb8;
	[tilespmem:$0xF780] =	vst v63  }
0xa5: {  	s25 =	simm.s32 $0x2F00;
	s26 =	simm.s32 $0xCF00;
	s28 =	simm.s32 $0xA700  }
.LBB2_4:
0xa6: {  	v1 =	vld [tilespmem:s29+$0xFFFFFF90];
	_ =	sdelay $0x7  }
0xa7: {  	v2 =	vld.idx.msk [tilespmem:v1+s18+$0x0], $0xffff;
	_ =	sdelay $0x4  }
0xa8: {  	[tilespmem:s28+$0x0] =	vst v2  }
0xa9: {  	v1 =	vld.idx.msk [tilespmem:v1+s20+$0x0], $0xffff;
	_ =	sdelay $0x4  }
0xaa: {  	[tilespmem:s26+$0x0] =	vst v1  }
0xab: {  	v1 =	vld [tilespmem:s29+$0xFFFFFFA0];
	_ =	sdelay $0x7  }
0xac: {  	v2 =	vld.idx.msk [tilespmem:v1+s18+$0x0], $0xffff;
	_ =	sdelay $0x4  }
0xad: {  	[tilespmem:s28+$0x10] =	vst v2  }
0xae: {  	v1 =	vld.idx.msk [tilespmem:v1+s20+$0x0], $0xffff;
	_ =	sdelay $0x4  }
0xaf: {  	[tilespmem:s26+$0x10] =	vst v1  }
0xb0: {  	v1 =	vld [tilespmem:s29+$0xFFFFFFB0];
	_ =	sdelay $0x7  }
0xb1: {  	v2 =	vld.idx.msk [tilespmem:v1+s18+$0x0], $0xffff;
	_ =	sdelay $0x4  }
0xb2: {  	[tilespmem:s28+$0x20] =	vst v2  }
0xb3: {  	v1 =	vld.idx.msk [tilespmem:v1+s20+$0x0], $0xffff;
	_ =	sdelay $0x4  }
0xb4: {  	[tilespmem:s26+$0x20] =	vst v1  }
0xb5: {  	v1 =	vld [tilespmem:s29+$0xFFFFFFC0];
	_ =	sdelay $0x7  }
0xb6: {  	v2 =	vld.idx.msk [tilespmem:v1+s18+$0x0], $0xffff;
	_ =	sdelay $0x4  }
0xb7: {  	[tilespmem:s28+$0x30] =	vst v2  }
0xb8: {  	v1 =	vld.idx.msk [tilespmem:v1+s20+$0x0], $0xffff;
	_ =	sdelay $0x4  }
0xb9: {  	[tilespmem:s26+$0x30] =	vst v1  }
0xba: {  	v1 =	vld [tilespmem:s29+$0xFFFFFFD0];
	_ =	sdelay $0x7  }
0xbb: {  	v2 =	vld.idx.msk [tilespmem:v1+s18+$0x0], $0xffff;
	_ =	sdelay $0x4  }
0xbc: {  	[tilespmem:s28+$0x40] =	vst v2  }
0xbd: {  	v1 =	vld.idx.msk [tilespmem:v1+s20+$0x0], $0xffff;
	_ =	sdelay $0x4  }
0xbe: {  	[tilespmem:s26+$0x40] =	vst v1  }
0xbf: {  	v1 =	vld [tilespmem:s29+$0xFFFFFFE0];
	_ =	sdelay $0x7  }
0xc0: {  	v2 =	vld.idx.msk [tilespmem:v1+s18+$0x0], $0xffff;
	_ =	sdelay $0x4  }
0xc1: {  	[tilespmem:s28+$0x50] =	vst v2  }
0xc2: {  	v1 =	vld.idx.msk [tilespmem:v1+s20+$0x0], $0xffff;
	_ =	sdelay $0x4  }
0xc3: {  	[tilespmem:s26+$0x50] =	vst v1  }
0xc4: {  	v1 =	vld [tilespmem:s29+$0xFFFFFFF0];
	_ =	sdelay $0x7  }
0xc5: {  	v2 =	vld.idx.msk [tilespmem:v1+s18+$0x0], $0xffff;
	_ =	sdelay $0x4  }
0xc6: {  	[tilespmem:s28+$0x60] =	vst v2  }
0xc7: {  	v1 =	vld.idx.msk [tilespmem:v1+s20+$0x0], $0xffff;
	_ =	sdelay $0x4  }
0xc8: {  	[tilespmem:s26+$0x60] =	vst v1  }
0xc9: {  	v1 =	vld [tilespmem:s29+$0x0];
	_ =	sdelay $0x7  }
0xca: {  	v2 =	vld.idx.msk [tilespmem:v1+s18+$0x0], $0xffff;
	_ =	sdelay $0x4  }
0xcb: {  	[tilespmem:s28+$0x70] =	vst v2  }
0xcc: {  	v1 =	vld.idx.msk [tilespmem:v1+s20+$0x0], $0xffff;
	_ =	sdelay $0x4  }
0xcd: {  	[tilespmem:s26+$0x70] =	vst v1  }
0xce: {  	[spmem:s2] =	stream.indirect.scatter.add.f32 [tilespmem:s28], [sflag:$0x1], $0x1, s25, s22, $0xb8;
	[tilespmem:$0xF780] =	vst v63  }
0xcf: {  	_ = 	snop  }
0xd0: {  	[spmem:s3] =	stream.indirect.scatter.add.f32 [tilespmem:s26], [sflag:$0x1], $0x1, s25, s22, $0xb8;
	[tilespmem:$0xF780] =	vst v63  }
0xd1: {  	p1 =	sne.s32 s30, $0x1;
	_ =	swait.ge [sflag:s23], $0x80  }
.Ltmp1:
0xd2: {  	[sflag:s23] =	ssyncset.done $0x0;
	(pc) =	sbr.rel @p1 .LBB2_4-.Ltmp1, $4  }
0xd3: {  	[sflag:s23] =	ssyncadd.s32 $0xFFFFFF80  }
0xd4: {  	s30 =	sadd.s32 $0xFFFFFFFF, s30;
	_ =	swait.ge [sflag:s23], $0x80  }
0xd5: {  	s29 =	sadd.s32 $0x80, s29;
	s28 =	sadd.s32 $0x80, s28;
	[sflag:s23] =	ssyncset.done $0x0  }
0xd6: {  	s25 =	sadd.s32 $0x80, s25;
	s26 =	sadd.s32 $0x80, s26;
	[sflag:s23] =	ssyncadd.s32 $0xFFFFFF80  }
0xd7: {  	s25 =	sadd.s32 $0x1, s14  }
0xd8: {  	p1 =	slt.u32 s25, s6  }
.Ltmp2:
0xd9: {  	_ =	swait.ge [sflag:s23], $0x80;
	(pc) =	sbr.rel @!p1 .LBB2_7-.Ltmp2, $4  }
0xda: {  	[sflag:s23] =	ssyncset.done $0x0  }
0xdb: {  	[sflag:s23] =	ssyncadd.s32 $0xFFFFFF80  }
0xdc: {  	_ =	swait.ge [sflag:s23], $0x80  }
0xdd: {  	[sflag:s23] =	ssyncset.done $0x0  }
.LBB2_6:
0xde: {  	s25 =	sadd.s32 $0x1, s25  }
0xdf: {  	[sflag:s23] =	ssyncadd.s32 $0xFFFFFF80;
	p1 =	slt.u32 s25, s6  }
.Ltmp3:
0xe0: {  	_ =	swait.ge [sflag:s23], $0x80;
	(pc) =	sbr.rel @p1 .LBB2_6-.Ltmp3, $4  }
0xe1: {  	[sflag:s23] =	ssyncset.done $0x0  }
0xe2: {  	[sflag:s23] =	ssyncadd.s32 $0xFFFFFF80  }
0xe3: {  	_ =	swait.ge [sflag:s23], $0x80  }
0xe4: {  	[sflag:s23] =	ssyncset.done $0x0  }
.LBB2_7:
0xe5: {  	[sflag:s23] =	ssyncadd.s32 $0xFFFFFF80;
	s25 =	sshll.u32 s0, $0x6  }
0xe6: {  	s26 =	sshrl.u32 s12, $0x3;
	[bflag:$0x0] =	sbarrier.arrive $0xFFFF;
	s25 =	sor.u32 $0x1C02, s25  }
0xe7: {  	[hbm:s15], [sflag:s25] =	dma.local [spmem:s26], $0x50  }
0xe8: {  	s24 =	sadd.s32 $0x1, s24;
	_ =	swait.ge [sflag:s19], $0x50  }
0xe9: {  	p1 =	sne.s32 s24, s17;
	[sflag:s19] =	ssyncset.done $0x0  }
.Ltmp4:
0xea: {  	s31 =	sshrl.u32 s13, $0x3;
	[sflag:s19] =	ssyncadd.s32 $0xFFFFFFB0;
	(pc) =	sbr.rel @p1 .LBB2_1-.Ltmp4, $4  }
0xeb: {  	[hbm:s16], [sflag:s25] =	dma.local [spmem:s31], $0x50  }
0xec: {  	_ =	swait.ge [sflag:s19], $0x50  }
0xed: {  	[sflag:s19] =	ssyncset.done $0x0  }
0xee: {  	[sflag:s19] =	ssyncadd.s32 $0xFFFFFFB0  }
0xef: {  	_ =	sfence.sel $0x180000  }
0xf0: {  	[bflag:$0x0] =	sbarrier.arrive $0xFFFF  }
0xf1: {  	p0 =	sne.s32 s0, $0x0;
	_ =	strace $0x9000004A  }
0xf2: {  	s0 =	sadd.s32 @!p0 $0x100000, s1;
	[bflag:$0x2] =	sbarrier.arrive $0xFFFF  }
0xf3: {  	[sflag:s0] =	ssyncadd.tile.s32 @!p0 $0x1;
	_ =	shalt  }
.Lfunc_end2:
_tile_overlayer_lowered:
.L_overlay_start_2:
0xf4: {  	(tag) =	ssettag $0x2  }
0xf5: {  	s0 =	rddreg [dreg:$0x0];
	s2 =	stileid.u32  }
0xf6: {  	s1 =	rddreg [dreg:$0x1];
	p0 =	sne.s32 s2, $0x0  }
0xf7: {  	s3 =	rddreg [dreg:$0x2];
	[bflag:$0x3] =	sbarrier.arrive $0xFFFF;
	s2 =	simm.s32 @!p0 $0x1C02  }
0xf8: {  	[timem:s3], [sflag:s2] =	dma.local @!p0 [hbm:s0], s1  }
0xf9: {  	s0 =	simm.s32 @!p0 $0x2  }
0xfa: {  	_ =	swait.ge @!p0 [sflag:s0], s1  }
0xfb: {  	s1 =	ssub.s32 @!p0 $0x0, s1;
	[sflag:s0] =	ssyncset.done @!p0 $0x0  }
0xfc: {  	[sflag:s0] =	ssyncadd.s32 @!p0 s1  }
0xfd: {  	[bflag:$0x3] =	sbarrier.arrive $0xFFFF  }
0xfe: {  	_ =	shalt  }

</sc_bundles>
